<compile_context>
chip_gen: v7x
topology: tpu7x:2x2x1
jax: 0.10.2.dev20260603
libtpu: 0.0.44.dev20260713+nightly
codegen_flags: <defaults>
</compile_context>

<pallas_src>
import jax
import jax.numpy as jnp
from jax.experimental import pallas as pl
from jax.experimental.pallas import tpu as pltpu

BATCH = 1024
DIM_CODES = 16
BOOK_SIZE = 1024
EMBEDDING_DIM = 64

BT = 128


def _vq_body(x_ref, cb_ref, dist_ref, idx_ref, c_sq_ref):
    C, K, E = cb_ref.shape

    @pl.when(pl.program_id(0) == 0)
    def _():
        for c in range(C):
            cb = cb_ref[c]
            c_sq_ref[c, :] = jnp.sum(cb * cb, axis=1)

    xb = x_ref[...]
    xm2 = xb * (-2.0)
    for c in range(C):
        xc = xb[:, c * E:(c + 1) * E]
        xc2 = xm2[:, c * E:(c + 1) * E]
        cross2 = jax.lax.dot_general(
            xc2, cb_ref[c],
            dimension_numbers=(((1,), (1,)), ((), ())),
            preferred_element_type=jnp.float32,
        )
        x_sq = jnp.sum(xc * xc, axis=1, keepdims=True)
        dist = (x_sq + cross2) + c_sq_ref[c][None, :]
        dist_ref[:, c * K:(c + 1) * K] = dist
        m = jnp.min(dist, axis=1, keepdims=True)
        iota = jax.lax.broadcasted_iota(jnp.int32, dist.shape, 1)
        cand = jnp.where(dist == m, iota, K)
        idx_ref[:, c] = jnp.min(cand, axis=1)


def kernel(x, codebook):
    batch = x.shape[0]
    dim_codes, book_size, emb = codebook.shape
    grid = (batch // BT,)
    dist2, idx = pl.pallas_call(
        _vq_body,
        grid=grid,
        in_specs=[
            pl.BlockSpec((BT, x.shape[1]), lambda i: (i, 0)),
            pl.BlockSpec(codebook.shape, lambda i: (0, 0, 0)),
        ],
        out_specs=[
            pl.BlockSpec((BT, dim_codes * book_size), lambda i: (i, 0)),
            pl.BlockSpec((BT, dim_codes), lambda i: (i, 0)),
        ],
        out_shape=[
            jax.ShapeDtypeStruct((batch, dim_codes * book_size), jnp.float32),
            jax.ShapeDtypeStruct((batch, dim_codes), jnp.int32),
        ],
        scratch_shapes=[pltpu.VMEM((dim_codes, book_size), jnp.float32)],
        compiler_params=pltpu.CompilerParams(
            dimension_semantics=("arbitrary",),
        ),
    )(x, codebook)
    dist = dist2.reshape(batch, dim_codes, book_size)
    idx_reshaped = idx.astype(jnp.int64)[..., None]
    return (dist, idx_reshaped)

# --- scband reference (transcript-rebuilt; emitter-appended) ---
"""Pipeline reference for scband-base-wauto-encoder-85925115724596 (READ-ONLY COPY).

The authoritative reference and input builder live on the scoring server;
editing this copy changes nothing except your own understanding.
"""

import jax, jax.numpy as jnp
import numpy as np

BATCH = 1024
DIM_CODES = 16
BOOK_SIZE = 1024
EMBEDDING_DIM = 64


def setup_inputs(seed: int = 0) -> dict:
    key = jax.random.key(seed)
    k1, k2 = jax.random.split(key)
    x = jax.random.normal(k1, (BATCH, DIM_CODES * EMBEDDING_DIM), dtype=jnp.float32)
    codebook = jax.random.normal(k2, (DIM_CODES, BOOK_SIZE, EMBEDDING_DIM), dtype=jnp.float32)
    return {"x": x, "codebook": codebook}


def reference(x, codebook):
    # Faithful port of DistanceCalculator.compute_distances (the concrete core of
    # BaseWAutoEncoder's quantization path).
    # torch: x.view(batch*dim_codes, 1, embedding_dim); book = codebook.detach().repeat(batch,1,1)
    #        dist = pykeops_square_distance(x, book)  -> [batch*dim_codes, 1, book_size]
    #        idx = dist.argmin(axis=2)                -> [batch*dim_codes, 1]
    #        dist_sum = dist.sum(1).view(batch, dim_codes, book_size)
    #        idx_reshaped = idx.view(batch, dim_codes, 1)
    batch = x.shape[0]
    dim_codes, book_size, embedding_dim = codebook.shape
    xr = x.reshape(batch, dim_codes, embedding_dim)
    # squared euclidean distance: dist[b, c, k] = sum_d (xr[b,c,d] - codebook[c,k,d])^2
    # expand via ||x||^2 - 2 x.c + ||c||^2 for efficiency (same math)
    x_sq = jnp.sum(xr * xr, axis=-1, keepdims=True)              # [B, C, 1]
    c_sq = jnp.sum(codebook * codebook, axis=-1)                  # [C, K]
    cross = jnp.einsum('bcd,ckd->bck', xr, codebook)              # [B, C, K]
    dist = x_sq - 2.0 * cross + c_sq[None, :, :]                  # [B, C, K]
    idx = jnp.argmin(dist, axis=-1).astype(jnp.int64)             # [B, C]
    dist_sum = dist                                               # sum over singleton axis 1 is identity
    idx_reshaped = idx[..., None]                                 # [B, C, 1]
    return (dist_sum, idx_reshaped)


if False:  # reference __main__ guard neutralized (emitter)
    inp = setup_inputs()
    out = reference(**inp)
    print(out[0].shape, out[1].shape)

if __name__ == "__main__":
    import jax
    _d = setup_inputs()
    print(jax.jit(kernel)(*tuple(_d.values())))

</pallas_src>

<mosaic_0001>
module attributes {stable_mosaic.version = 14 : i64} {
  func.func @_vq_body(%arg0: i32, %arg1: memref<128x1024xf32, #tpu.memory_space<vmem>>, %arg2: memref<16x1024x64xf32, #tpu.memory_space<vmem>>, %arg3: memref<128x16384xf32, #tpu.memory_space<vmem>>, %arg4: memref<128x16xi32, #tpu.memory_space<vmem>>, %arg5: memref<16x1024xf32, #tpu.memory_space<vmem>>) attributes {dimension_semantics = [#tpu.dimension_semantics<arbitrary>], iteration_bounds = array<i64: 8>, scalar_prefetch = 0 : i64, scratch_operands = 1 : i64, tpu.core_type = #tpu.core_type<tc>, window_params = [{transform_indices = @transform_0, window_bounds = array<i64: 128, 1024>}, {pipeline_mode = #tpu.pipeline_mode<synchronous>, transform_indices = @transform_1, window_bounds = array<i64: 16, 1024, 64>}, {transform_indices = @transform_2, window_bounds = array<i64: 128, 16384>}, {transform_indices = @transform_3, window_bounds = array<i64: 128, 16>}]} {
    %eq3A = arith.constant 0 : i32
    %eq3A_0 = arith.cmpi eq, %arg0, %eq3A : i32
    %convert_element_type3A = arith.extui %eq3A_0 : i1 to i32
    %cond3A = arith.constant 0 : i32
    %cond3A_1 = arith.cmpi ne, %convert_element_type3A, %cond3A : i32
    scf.if %cond3A_1 {
      %get3A_652 = arith.constant 0 : index
      %get3A_653 = arith.constant 0 : index
      %get3A_654 = arith.constant 0 : index
      %get3A_655 = vector.load %arg2[%get3A_652, %get3A_653, %get3A_654] : memref<16x1024x64xf32, #tpu.memory_space<vmem>>, vector<1x1024x64xf32>
      %get3A_656 = vector.shape_cast %get3A_655 : vector<1x1024x64xf32> to vector<1024x64xf32>
      %mul3A_657 = arith.mulf %get3A_656, %get3A_656 : vector<1024x64xf32>
      %reduce_sum3A_658 = arith.constant dense<0.000000e+00> : vector<1024xf32>
      %reduce_sum3A_659 = vector.multi_reduction <add>, %mul3A_657, %reduce_sum3A_658 [1] : vector<1024x64xf32> to vector<1024xf32>
      %swap3A_660 = arith.constant 0 : index
      %swap3A_661 = arith.constant 0 : index
      %swap3A_662 = vector.load %arg5[%swap3A_660, %swap3A_661] : memref<16x1024xf32, #tpu.memory_space<vmem>>, vector<1x1024xf32>
      %swap3A_663 = vector.shape_cast %swap3A_662 : vector<1x1024xf32> to vector<1024xf32>
      %swap3A_664 = vector.shape_cast %reduce_sum3A_659 : vector<1024xf32> to vector<1x1024xf32>
      tpu.vector_store %arg5[%swap3A_660, %swap3A_661], %swap3A_664 {strides = array<i32>} : memref<16x1024xf32, #tpu.memory_space<vmem>>, vector<1x1024xf32>,
      %get3A_665 = arith.constant 1 : index
      %get3A_666 = arith.constant 0 : index
      %get3A_667 = arith.constant 0 : index
      %get3A_668 = vector.load %arg2[%get3A_665, %get3A_666, %get3A_667] : memref<16x1024x64xf32, #tpu.memory_space<vmem>>, vector<1x1024x64xf32>
      %get3A_669 = vector.shape_cast %get3A_668 : vector<1x1024x64xf32> to vector<1024x64xf32>
      %mul3A_670 = arith.mulf %get3A_669, %get3A_669 : vector<1024x64xf32>
      %reduce_sum3A_671 = arith.constant dense<0.000000e+00> : vector<1024xf32>
      %reduce_sum3A_672 = vector.multi_reduction <add>, %mul3A_670, %reduce_sum3A_671 [1] : vector<1024x64xf32> to vector<1024xf32>
      %swap3A_673 = arith.constant 1 : index
      %swap3A_674 = arith.constant 0 : index
      %swap3A_675 = vector.load %arg5[%swap3A_673, %swap3A_674] : memref<16x1024xf32, #tpu.memory_space<vmem>>, vector<1x1024xf32>
      %swap3A_676 = vector.shape_cast %swap3A_675 : vector<1x1024xf32> to vector<1024xf32>
      %swap3A_677 = vector.shape_cast %reduce_sum3A_672 : vector<1024xf32> to vector<1x1024xf32>
      tpu.vector_store %arg5[%swap3A_673, %swap3A_674], %swap3A_677 {strides = array<i32>} : memref<16x1024xf32, #tpu.memory_space<vmem>>, vector<1x1024xf32>,
      %get3A_678 = arith.constant 2 : index
      %get3A_679 = arith.constant 0 : index
      %get3A_680 = arith.constant 0 : index
      %get3A_681 = vector.load %arg2[%get3A_678, %get3A_679, %get3A_680] : memref<16x1024x64xf32, #tpu.memory_space<vmem>>, vector<1x1024x64xf32>
      %get3A_682 = vector.shape_cast %get3A_681 : vector<1x1024x64xf32> to vector<1024x64xf32>
      %mul3A_683 = arith.mulf %get3A_682, %get3A_682 : vector<1024x64xf32>
      %reduce_sum3A_684 = arith.constant dense<0.000000e+00> : vector<1024xf32>
      %reduce_sum3A_685 = vector.multi_reduction <add>, %mul3A_683, %reduce_sum3A_684 [1] : vector<1024x64xf32> to vector<1024xf32>
      %swap3A_686 = arith.constant 2 : index
      %swap3A_687 = arith.constant 0 : index
      %swap3A_688 = vector.load %arg5[%swap3A_686, %swap3A_687] : memref<16x1024xf32, #tpu.memory_space<vmem>>, vector<1x1024xf32>
      %swap3A_689 = vector.shape_cast %swap3A_688 : vector<1x1024xf32> to vector<1024xf32>
      %swap3A_690 = vector.shape_cast %reduce_sum3A_685 : vector<1024xf32> to vector<1x1024xf32>
      tpu.vector_store %arg5[%swap3A_686, %swap3A_687], %swap3A_690 {strides = array<i32>} : memref<16x1024xf32, #tpu.memory_space<vmem>>, vector<1x1024xf32>,
      %get3A_691 = arith.constant 3 : index
      %get3A_692 = arith.constant 0 : index
      %get3A_693 = arith.constant 0 : index
      %get3A_694 = vector.load %arg2[%get3A_691, %get3A_692, %get3A_693] : memref<16x1024x64xf32, #tpu.memory_space<vmem>>, vector<1x1024x64xf32>
      %get3A_695 = vector.shape_cast %get3A_694 : vector<1x1024x64xf32> to vector<1024x64xf32>
      %mul3A_696 = arith.mulf %get3A_695, %get3A_695 : vector<1024x64xf32>
      %reduce_sum3A_697 = arith.constant dense<0.000000e+00> : vector<1024xf32>
      %reduce_sum3A_698 = vector.multi_reduction <add>, %mul3A_696, %reduce_sum3A_697 [1] : vector<1024x64xf32> to vector<1024xf32>
      %swap3A_699 = arith.constant 3 : index
      %swap3A_700 = arith.constant 0 : index
      %swap3A_701 = vector.load %arg5[%swap3A_699, %swap3A_700] : memref<16x1024xf32, #tpu.memory_space<vmem>>, vector<1x1024xf32>
      %swap3A_702 = vector.shape_cast %swap3A_701 : vector<1x1024xf32> to vector<1024xf32>
      %swap3A_703 = vector.shape_cast %reduce_sum3A_698 : vector<1024xf32> to vector<1x1024xf32>
      tpu.vector_store %arg5[%swap3A_699, %swap3A_700], %swap3A_703 {strides = array<i32>} : memref<16x1024xf32, #tpu.memory_space<vmem>>, vector<1x1024xf32>,
      %get3A_704 = arith.constant 4 : index
      %get3A_705 = arith.constant 0 : index
      %get3A_706 = arith.constant 0 : index
      %get3A_707 = vector.load %arg2[%get3A_704, %get3A_705, %get3A_706] : memref<16x1024x64xf32, #tpu.memory_space<vmem>>, vector<1x1024x64xf32>
      %get3A_708 = vector.shape_cast %get3A_707 : vector<1x1024x64xf32> to vector<1024x64xf32>
      %mul3A_709 = arith.mulf %get3A_708, %get3A_708 : vector<1024x64xf32>
      %reduce_sum3A_710 = arith.constant dense<0.000000e+00> : vector<1024xf32>
      %reduce_sum3A_711 = vector.multi_reduction <add>, %mul3A_709, %reduce_sum3A_710 [1] : vector<1024x64xf32> to vector<1024xf32>
      %swap3A_712 = arith.constant 4 : index
      %swap3A_713 = arith.constant 0 : index
      %swap3A_714 = vector.load %arg5[%swap3A_712, %swap3A_713] : memref<16x1024xf32, #tpu.memory_space<vmem>>, vector<1x1024xf32>
      %swap3A_715 = vector.shape_cast %swap3A_714 : vector<1x1024xf32> to vector<1024xf32>
      %swap3A_716 = vector.shape_cast %reduce_sum3A_711 : vector<1024xf32> to vector<1x1024xf32>
      tpu.vector_store %arg5[%swap3A_712, %swap3A_713], %swap3A_716 {strides = array<i32>} : memref<16x1024xf32, #tpu.memory_space<vmem>>, vector<1x1024xf32>,
      %get3A_717 = arith.constant 5 : index
      %get3A_718 = arith.constant 0 : index
      %get3A_719 = arith.constant 0 : index
      %get3A_720 = vector.load %arg2[%get3A_717, %get3A_718, %get3A_719] : memref<16x1024x64xf32, #tpu.memory_space<vmem>>, vector<1x1024x64xf32>
      %get3A_721 = vector.shape_cast %get3A_720 : vector<1x1024x64xf32> to vector<1024x64xf32>
      %mul3A_722 = arith.mulf %get3A_721, %get3A_721 : vector<1024x64xf32>
      %reduce_sum3A_723 = arith.constant dense<0.000000e+00> : vector<1024xf32>
      %reduce_sum3A_724 = vector.multi_reduction <add>, %mul3A_722, %reduce_sum3A_723 [1] : vector<1024x64xf32> to vector<1024xf32>
      %swap3A_725 = arith.constant 5 : index
      %swap3A_726 = arith.constant 0 : index
      %swap3A_727 = vector.load %arg5[%swap3A_725, %swap3A_726] : memref<16x1024xf32, #tpu.memory_space<vmem>>, vector<1x1024xf32>
      %swap3A_728 = vector.shape_cast %swap3A_727 : vector<1x1024xf32> to vector<1024xf32>
      %swap3A_729 = vector.shape_cast %reduce_sum3A_724 : vector<1024xf32> to vector<1x1024xf32>
      tpu.vector_store %arg5[%swap3A_725, %swap3A_726], %swap3A_729 {strides = array<i32>} : memref<16x1024xf32, #tpu.memory_space<vmem>>, vector<1x1024xf32>,
      %get3A_730 = arith.constant 6 : index
      %get3A_731 = arith.constant 0 : index
      %get3A_732 = arith.constant 0 : index
      %get3A_733 = vector.load %arg2[%get3A_730, %get3A_731, %get3A_732] : memref<16x1024x64xf32, #tpu.memory_space<vmem>>, vector<1x1024x64xf32>
      %get3A_734 = vector.shape_cast %get3A_733 : vector<1x1024x64xf32> to vector<1024x64xf32>
      %mul3A_735 = arith.mulf %get3A_734, %get3A_734 : vector<1024x64xf32>
      %reduce_sum3A_736 = arith.constant dense<0.000000e+00> : vector<1024xf32>
      %reduce_sum3A_737 = vector.multi_reduction <add>, %mul3A_735, %reduce_sum3A_736 [1] : vector<1024x64xf32> to vector<1024xf32>
      %swap3A_738 = arith.constant 6 : index
      %swap3A_739 = arith.constant 0 : index
      %swap3A_740 = vector.load %arg5[%swap3A_738, %swap3A_739] : memref<16x1024xf32, #tpu.memory_space<vmem>>, vector<1x1024xf32>
      %swap3A_741 = vector.shape_cast %swap3A_740 : vector<1x1024xf32> to vector<1024xf32>
      %swap3A_742 = vector.shape_cast %reduce_sum3A_737 : vector<1024xf32> to vector<1x1024xf32>
      tpu.vector_store %arg5[%swap3A_738, %swap3A_739], %swap3A_742 {strides = array<i32>} : memref<16x1024xf32, #tpu.memory_space<vmem>>, vector<1x1024xf32>,
      %get3A_743 = arith.constant 7 : index
      %get3A_744 = arith.constant 0 : index
      %get3A_745 = arith.constant 0 : index
      %get3A_746 = vector.load %arg2[%get3A_743, %get3A_744, %get3A_745] : memref<16x1024x64xf32, #tpu.memory_space<vmem>>, vector<1x1024x64xf32>
      %get3A_747 = vector.shape_cast %get3A_746 : vector<1x1024x64xf32> to vector<1024x64xf32>
      %mul3A_748 = arith.mulf %get3A_747, %get3A_747 : vector<1024x64xf32>
      %reduce_sum3A_749 = arith.constant dense<0.000000e+00> : vector<1024xf32>
      %reduce_sum3A_750 = vector.multi_reduction <add>, %mul3A_748, %reduce_sum3A_749 [1] : vector<1024x64xf32> to vector<1024xf32>
      %swap3A_751 = arith.constant 7 : index
      %swap3A_752 = arith.constant 0 : index
      %swap3A_753 = vector.load %arg5[%swap3A_751, %swap3A_752] : memref<16x1024xf32, #tpu.memory_space<vmem>>, vector<1x1024xf32>
      %swap3A_754 = vector.shape_cast %swap3A_753 : vector<1x1024xf32> to vector<1024xf32>
      %swap3A_755 = vector.shape_cast %reduce_sum3A_750 : vector<1024xf32> to vector<1x1024xf32>
      tpu.vector_store %arg5[%swap3A_751, %swap3A_752], %swap3A_755 {strides = array<i32>} : memref<16x1024xf32, #tpu.memory_space<vmem>>, vector<1x1024xf32>,
      %get3A_756 = arith.constant 8 : index
      %get3A_757 = arith.constant 0 : index
      %get3A_758 = arith.constant 0 : index
      %get3A_759 = vector.load %arg2[%get3A_756, %get3A_757, %get3A_758] : memref<16x1024x64xf32, #tpu.memory_space<vmem>>, vector<1x1024x64xf32>
      %get3A_760 = vector.shape_cast %get3A_759 : vector<1x1024x64xf32> to vector<1024x64xf32>
      %mul3A_761 = arith.mulf %get3A_760, %get3A_760 : vector<1024x64xf32>
      %reduce_sum3A_762 = arith.constant dense<0.000000e+00> : vector<1024xf32>
      %reduce_sum3A_763 = vector.multi_reduction <add>, %mul3A_761, %reduce_sum3A_762 [1] : vector<1024x64xf32> to vector<1024xf32>
      %swap3A_764 = arith.constant 8 : index
      %swap3A_765 = arith.constant 0 : index
      %swap3A_766 = vector.load %arg5[%swap3A_764, %swap3A_765] : memref<16x1024xf32, #tpu.memory_space<vmem>>, vector<1x1024xf32>
      %swap3A_767 = vector.shape_cast %swap3A_766 : vector<1x1024xf32> to vector<1024xf32>
      %swap3A_768 = vector.shape_cast %reduce_sum3A_763 : vector<1024xf32> to vector<1x1024xf32>
      tpu.vector_store %arg5[%swap3A_764, %swap3A_765], %swap3A_768 {strides = array<i32>} : memref<16x1024xf32, #tpu.memory_space<vmem>>, vector<1x1024xf32>,
      %get3A_769 = arith.constant 9 : index
      %get3A_770 = arith.constant 0 : index
      %get3A_771 = arith.constant 0 : index
      %get3A_772 = vector.load %arg2[%get3A_769, %get3A_770, %get3A_771] : memref<16x1024x64xf32, #tpu.memory_space<vmem>>, vector<1x1024x64xf32>
      %get3A_773 = vector.shape_cast %get3A_772 : vector<1x1024x64xf32> to vector<1024x64xf32>
      %mul3A_774 = arith.mulf %get3A_773, %get3A_773 : vector<1024x64xf32>
      %reduce_sum3A_775 = arith.constant dense<0.000000e+00> : vector<1024xf32>
      %reduce_sum3A_776 = vector.multi_reduction <add>, %mul3A_774, %reduce_sum3A_775 [1] : vector<1024x64xf32> to vector<1024xf32>
      %swap3A_777 = arith.constant 9 : index
      %swap3A_778 = arith.constant 0 : index
      %swap3A_779 = vector.load %arg5[%swap3A_777, %swap3A_778] : memref<16x1024xf32, #tpu.memory_space<vmem>>, vector<1x1024xf32>
      %swap3A_780 = vector.shape_cast %swap3A_779 : vector<1x1024xf32> to vector<1024xf32>
      %swap3A_781 = vector.shape_cast %reduce_sum3A_776 : vector<1024xf32> to vector<1x1024xf32>
      tpu.vector_store %arg5[%swap3A_777, %swap3A_778], %swap3A_781 {strides = array<i32>} : memref<16x1024xf32, #tpu.memory_space<vmem>>, vector<1x1024xf32>,
      %get3A_782 = arith.constant 10 : index
      %get3A_783 = arith.constant 0 : index
      %get3A_784 = arith.constant 0 : index
      %get3A_785 = vector.load %arg2[%get3A_782, %get3A_783, %get3A_784] : memref<16x1024x64xf32, #tpu.memory_space<vmem>>, vector<1x1024x64xf32>
      %get3A_786 = vector.shape_cast %get3A_785 : vector<1x1024x64xf32> to vector<1024x64xf32>
      %mul3A_787 = arith.mulf %get3A_786, %get3A_786 : vector<1024x64xf32>
      %reduce_sum3A_788 = arith.constant dense<0.000000e+00> : vector<1024xf32>
      %reduce_sum3A_789 = vector.multi_reduction <add>, %mul3A_787, %reduce_sum3A_788 [1] : vector<1024x64xf32> to vector<1024xf32>
      %swap3A_790 = arith.constant 10 : index
      %swap3A_791 = arith.constant 0 : index
      %swap3A_792 = vector.load %arg5[%swap3A_790, %swap3A_791] : memref<16x1024xf32, #tpu.memory_space<vmem>>, vector<1x1024xf32>
      %swap3A_793 = vector.shape_cast %swap3A_792 : vector<1x1024xf32> to vector<1024xf32>
      %swap3A_794 = vector.shape_cast %reduce_sum3A_789 : vector<1024xf32> to vector<1x1024xf32>
      tpu.vector_store %arg5[%swap3A_790, %swap3A_791], %swap3A_794 {strides = array<i32>} : memref<16x1024xf32, #tpu.memory_space<vmem>>, vector<1x1024xf32>,
      %get3A_795 = arith.constant 11 : index
      %get3A_796 = arith.constant 0 : index
      %get3A_797 = arith.constant 0 : index
      %get3A_798 = vector.load %arg2[%get3A_795, %get3A_796, %get3A_797] : memref<16x1024x64xf32, #tpu.memory_space<vmem>>, vector<1x1024x64xf32>
      %get3A_799 = vector.shape_cast %get3A_798 : vector<1x1024x64xf32> to vector<1024x64xf32>
      %mul3A_800 = arith.mulf %get3A_799, %get3A_799 : vector<1024x64xf32>
      %reduce_sum3A_801 = arith.constant dense<0.000000e+00> : vector<1024xf32>
      %reduce_sum3A_802 = vector.multi_reduction <add>, %mul3A_800, %reduce_sum3A_801 [1] : vector<1024x64xf32> to vector<1024xf32>
      %swap3A_803 = arith.constant 11 : index
      %swap3A_804 = arith.constant 0 : index
      %swap3A_805 = vector.load %arg5[%swap3A_803, %swap3A_804] : memref<16x1024xf32, #tpu.memory_space<vmem>>, vector<1x1024xf32>
      %swap3A_806 = vector.shape_cast %swap3A_805 : vector<1x1024xf32> to vector<1024xf32>
      %swap3A_807 = vector.shape_cast %reduce_sum3A_802 : vector<1024xf32> to vector<1x1024xf32>
      tpu.vector_store %arg5[%swap3A_803, %swap3A_804], %swap3A_807 {strides = array<i32>} : memref<16x1024xf32, #tpu.memory_space<vmem>>, vector<1x1024xf32>,
      %get3A_808 = arith.constant 12 : index
      %get3A_809 = arith.constant 0 : index
      %get3A_810 = arith.constant 0 : index
      %get3A_811 = vector.load %arg2[%get3A_808, %get3A_809, %get3A_810] : memref<16x1024x64xf32, #tpu.memory_space<vmem>>, vector<1x1024x64xf32>
      %get3A_812 = vector.shape_cast %get3A_811 : vector<1x1024x64xf32> to vector<1024x64xf32>
      %mul3A_813 = arith.mulf %get3A_812, %get3A_812 : vector<1024x64xf32>
      %reduce_sum3A_814 = arith.constant dense<0.000000e+00> : vector<1024xf32>
      %reduce_sum3A_815 = vector.multi_reduction <add>, %mul3A_813, %reduce_sum3A_814 [1] : vector<1024x64xf32> to vector<1024xf32>
      %swap3A_816 = arith.constant 12 : index
      %swap3A_817 = arith.constant 0 : index
      %swap3A_818 = vector.load %arg5[%swap3A_816, %swap3A_817] : memref<16x1024xf32, #tpu.memory_space<vmem>>, vector<1x1024xf32>
      %swap3A_819 = vector.shape_cast %swap3A_818 : vector<1x1024xf32> to vector<1024xf32>
      %swap3A_820 = vector.shape_cast %reduce_sum3A_815 : vector<1024xf32> to vector<1x1024xf32>
      tpu.vector_store %arg5[%swap3A_816, %swap3A_817], %swap3A_820 {strides = array<i32>} : memref<16x1024xf32, #tpu.memory_space<vmem>>, vector<1x1024xf32>,
      %get3A_821 = arith.constant 13 : index
      %get3A_822 = arith.constant 0 : index
      %get3A_823 = arith.constant 0 : index
      %get3A_824 = vector.load %arg2[%get3A_821, %get3A_822, %get3A_823] : memref<16x1024x64xf32, #tpu.memory_space<vmem>>, vector<1x1024x64xf32>
      %get3A_825 = vector.shape_cast %get3A_824 : vector<1x1024x64xf32> to vector<1024x64xf32>
      %mul3A_826 = arith.mulf %get3A_825, %get3A_825 : vector<1024x64xf32>
      %reduce_sum3A_827 = arith.constant dense<0.000000e+00> : vector<1024xf32>
      %reduce_sum3A_828 = vector.multi_reduction <add>, %mul3A_826, %reduce_sum3A_827 [1] : vector<1024x64xf32> to vector<1024xf32>
      %swap3A_829 = arith.constant 13 : index
      %swap3A_830 = arith.constant 0 : index
      %swap3A_831 = vector.load %arg5[%swap3A_829, %swap3A_830] : memref<16x1024xf32, #tpu.memory_space<vmem>>, vector<1x1024xf32>
      %swap3A_832 = vector.shape_cast %swap3A_831 : vector<1x1024xf32> to vector<1024xf32>
      %swap3A_833 = vector.shape_cast %reduce_sum3A_828 : vector<1024xf32> to vector<1x1024xf32>
      tpu.vector_store %arg5[%swap3A_829, %swap3A_830], %swap3A_833 {strides = array<i32>} : memref<16x1024xf32, #tpu.memory_space<vmem>>, vector<1x1024xf32>,
      %get3A_834 = arith.constant 14 : index
      %get3A_835 = arith.constant 0 : index
      %get3A_836 = arith.constant 0 : index
      %get3A_837 = vector.load %arg2[%get3A_834, %get3A_835, %get3A_836] : memref<16x1024x64xf32, #tpu.memory_space<vmem>>, vector<1x1024x64xf32>
      %get3A_838 = vector.shape_cast %get3A_837 : vector<1x1024x64xf32> to vector<1024x64xf32>
      %mul3A_839 = arith.mulf %get3A_838, %get3A_838 : vector<1024x64xf32>
      %reduce_sum3A_840 = arith.constant dense<0.000000e+00> : vector<1024xf32>
      %reduce_sum3A_841 = vector.multi_reduction <add>, %mul3A_839, %reduce_sum3A_840 [1] : vector<1024x64xf32> to vector<1024xf32>
      %swap3A_842 = arith.constant 14 : index
      %swap3A_843 = arith.constant 0 : index
      %swap3A_844 = vector.load %arg5[%swap3A_842, %swap3A_843] : memref<16x1024xf32, #tpu.memory_space<vmem>>, vector<1x1024xf32>
      %swap3A_845 = vector.shape_cast %swap3A_844 : vector<1x1024xf32> to vector<1024xf32>
      %swap3A_846 = vector.shape_cast %reduce_sum3A_841 : vector<1024xf32> to vector<1x1024xf32>
      tpu.vector_store %arg5[%swap3A_842, %swap3A_843], %swap3A_846 {strides = array<i32>} : memref<16x1024xf32, #tpu.memory_space<vmem>>, vector<1x1024xf32>,
      %get3A_847 = arith.constant 15 : index
      %get3A_848 = arith.constant 0 : index
      %get3A_849 = arith.constant 0 : index
      %get3A_850 = vector.load %arg2[%get3A_847, %get3A_848, %get3A_849] : memref<16x1024x64xf32, #tpu.memory_space<vmem>>, vector<1x1024x64xf32>
      %get3A_851 = vector.shape_cast %get3A_850 : vector<1x1024x64xf32> to vector<1024x64xf32>
      %mul3A_852 = arith.mulf %get3A_851, %get3A_851 : vector<1024x64xf32>
      %reduce_sum3A_853 = arith.constant dense<0.000000e+00> : vector<1024xf32>
      %reduce_sum3A_854 = vector.multi_reduction <add>, %mul3A_852, %reduce_sum3A_853 [1] : vector<1024x64xf32> to vector<1024xf32>
      %swap3A_855 = arith.constant 15 : index
      %swap3A_856 = arith.constant 0 : index
      %swap3A_857 = vector.load %arg5[%swap3A_855, %swap3A_856] : memref<16x1024xf32, #tpu.memory_space<vmem>>, vector<1x1024xf32>
      %swap3A_858 = vector.shape_cast %swap3A_857 : vector<1x1024xf32> to vector<1024xf32>
      %swap3A_859 = vector.shape_cast %reduce_sum3A_854 : vector<1024xf32> to vector<1x1024xf32>
      tpu.vector_store %arg5[%swap3A_855, %swap3A_856], %swap3A_859 {strides = array<i32>} : memref<16x1024xf32, #tpu.memory_space<vmem>>, vector<1x1024xf32>,
    } else {
    }
    %get3A = arith.constant 0 : index
    %get3A_2 = arith.constant 0 : index
    %get3A_3 = vector.load %arg1[%get3A, %get3A_2] : memref<128x1024xf32, #tpu.memory_space<vmem>>, vector<128x1024xf32>
    %mul3A = arith.constant -2.000000e+00 : f32
    %mul3A_4 = vector.broadcast %mul3A : f32 to vector<128x1024xf32>
    %mul3A_5 = arith.mulf %get3A_3, %mul3A_4 : vector<128x1024xf32>
    %slice3A = vector.extract_strided_slice %get3A_3 {offsets = [0, 0], sizes = [128, 64], strides = [1, 1]} : vector<128x1024xf32> to vector<128x64xf32>
    %slice3A_6 = vector.extract_strided_slice %mul3A_5 {offsets = [0, 0], sizes = [128, 64], strides = [1, 1]} : vector<128x1024xf32> to vector<128x64xf32>
    %get3A_7 = arith.constant 0 : index
    %get3A_8 = arith.constant 0 : index
    %get3A_9 = arith.constant 0 : index
    %get3A_10 = vector.load %arg2[%get3A_7, %get3A_8, %get3A_9] : memref<16x1024x64xf32, #tpu.memory_space<vmem>>, vector<1x1024x64xf32>
    %get3A_11 = vector.shape_cast %get3A_10 : vector<1x1024x64xf32> to vector<1024x64xf32>
    %dot_general3A = arith.constant dense<0.000000e+00> : vector<128x1024xf32>
    %dot_general3A_12 = tpu.matmul %slice3A_6, %get3A_11, %dot_general3A {dimension_numbers = #tpu.dot_dimension_numbers<[1], [1], [0], [0], [0, 0, 1, 0], [], []>, transpose_lhs_hint = false} : vector<128x64xf32>, vector<1024x64xf32>, vector<128x1024xf32> -> vector<128x1024xf32>
    %mul3A_13 = arith.mulf %slice3A, %slice3A : vector<128x64xf32>
    %reduce_sum3A = arith.constant dense<0.000000e+00> : vector<128xf32>
    %reduce_sum3A_14 = vector.multi_reduction <add>, %mul3A_13, %reduce_sum3A [1] : vector<128x64xf32> to vector<128xf32>
    %broadcast_in_dim3A = vector.shape_cast %reduce_sum3A_14 : vector<128xf32> to vector<128x1xf32>
    %add3A = vector.broadcast %broadcast_in_dim3A : vector<128x1xf32> to vector<128x1024xf32>
    %add3A_15 = arith.addf %add3A, %dot_general3A_12 : vector<128x1024xf32>
    %get3A_16 = arith.constant 0 : index
    %get3A_17 = arith.constant 0 : index
    %get3A_18 = vector.load %arg5[%get3A_16, %get3A_17] : memref<16x1024xf32, #tpu.memory_space<vmem>>, vector<1x1024xf32>
    %get3A_19 = vector.shape_cast %get3A_18 : vector<1x1024xf32> to vector<1024xf32>
    %broadcast_in_dim3A_20 = vector.shape_cast %get3A_19 : vector<1024xf32> to vector<1x1024xf32>
    %add3A_21 = vector.broadcast %broadcast_in_dim3A_20 : vector<1x1024xf32> to vector<128x1024xf32>
    %add3A_22 = arith.addf %add3A_15, %add3A_21 : vector<128x1024xf32>
    %swap3A = arith.constant 0 : index
    %swap3A_23 = arith.constant 0 : index
    %swap3A_24 = vector.load %arg3[%swap3A, %swap3A_23] : memref<128x16384xf32, #tpu.memory_space<vmem>>, vector<128x1024xf32>
    tpu.vector_store %arg3[%swap3A, %swap3A_23], %add3A_22 {strides = array<i32>} : memref<128x16384xf32, #tpu.memory_space<vmem>>, vector<128x1024xf32>,
    %reduce_min3A = arith.constant dense<0x7F800000> : vector<128xf32>
    %reduce_min3A_25 = vector.multi_reduction <minimumf>, %add3A_22, %reduce_min3A [1] : vector<128x1024xf32> to vector<128xf32>
    %broadcast_in_dim3A_26 = vector.shape_cast %reduce_min3A_25 : vector<128xf32> to vector<128x1xf32>
    %iota3A = tpu.iota {dimensions = array<i32: 1>} : vector<128x1024xi32>
    %eq3A_27 = vector.broadcast %broadcast_in_dim3A_26 : vector<128x1xf32> to vector<128x1024xf32>
    %eq3A_28 = arith.cmpf oeq, %add3A_22, %eq3A_27 : vector<128x1024xf32>
    %jit3A = arith.constant 1024 : i32
    %broadcast_in_dim3A_29 = vector.broadcast %jit3A : i32 to vector<128x1024xi32>
    %select_n3A = arith.select %eq3A_28, %iota3A, %broadcast_in_dim3A_29 : vector<128x1024xi1>, vector<128x1024xi32>
    %reduce_min3A_30 = arith.constant dense<2147483647> : vector<128xi32>
    %reduce_min3A_31 = vector.multi_reduction <minsi>, %select_n3A, %reduce_min3A_30 [1] : vector<128x1024xi32> to vector<128xi32>
    %swap3A_32 = arith.constant 0 : index
    %swap3A_33 = arith.constant 0 : index
    %swap3A_34 = vector.load %arg4[%swap3A_32, %swap3A_33] : memref<128x16xi32, #tpu.memory_space<vmem>>, vector<128x1xi32>
    %swap3A_35 = vector.shape_cast %swap3A_34 : vector<128x1xi32> to vector<128xi32>
    %swap3A_36 = vector.shape_cast %reduce_min3A_31 : vector<128xi32> to vector<128x1xi32>
    tpu.vector_store %arg4[%swap3A_32, %swap3A_33], %swap3A_36 {strides = array<i32>} : memref<128x16xi32, #tpu.memory_space<vmem>>, vector<128x1xi32>,
    %slice3A_37 = vector.extract_strided_slice %get3A_3 {offsets = [0, 64], sizes = [128, 64], strides = [1, 1]} : vector<128x1024xf32> to vector<128x64xf32>
    %slice3A_38 = vector.extract_strided_slice %mul3A_5 {offsets = [0, 64], sizes = [128, 64], strides = [1, 1]} : vector<128x1024xf32> to vector<128x64xf32>
    %get3A_39 = arith.constant 1 : index
    %get3A_40 = arith.constant 0 : index
    %get3A_41 = arith.constant 0 : index
    %get3A_42 = vector.load %arg2[%get3A_39, %get3A_40, %get3A_41] : memref<16x1024x64xf32, #tpu.memory_space<vmem>>, vector<1x1024x64xf32>
    %get3A_43 = vector.shape_cast %get3A_42 : vector<1x1024x64xf32> to vector<1024x64xf32>
    %dot_general3A_44 = arith.constant dense<0.000000e+00> : vector<128x1024xf32>
    %dot_general3A_45 = tpu.matmul %slice3A_38, %get3A_43, %dot_general3A_44 {dimension_numbers = #tpu.dot_dimension_numbers<[1], [1], [0], [0], [0, 0, 1, 0], [], []>, transpose_lhs_hint = false} : vector<128x64xf32>, vector<1024x64xf32>, vector<128x1024xf32> -> vector<128x1024xf32>
    %mul3A_46 = arith.mulf %slice3A_37, %slice3A_37 : vector<128x64xf32>
    %reduce_sum3A_47 = arith.constant dense<0.000000e+00> : vector<128xf32>
    %reduce_sum3A_48 = vector.multi_reduction <add>, %mul3A_46, %reduce_sum3A_47 [1] : vector<128x64xf32> to vector<128xf32>
    %broadcast_in_dim3A_49 = vector.shape_cast %reduce_sum3A_48 : vector<128xf32> to vector<128x1xf32>
    %add3A_50 = vector.broadcast %broadcast_in_dim3A_49 : vector<128x1xf32> to vector<128x1024xf32>
    %add3A_51 = arith.addf %add3A_50, %dot_general3A_45 : vector<128x1024xf32>
    %get3A_52 = arith.constant 1 : index
    %get3A_53 = arith.constant 0 : index
    %get3A_54 = vector.load %arg5[%get3A_52, %get3A_53] : memref<16x1024xf32, #tpu.memory_space<vmem>>, vector<1x1024xf32>
    %get3A_55 = vector.shape_cast %get3A_54 : vector<1x1024xf32> to vector<1024xf32>
    %broadcast_in_dim3A_56 = vector.shape_cast %get3A_55 : vector<1024xf32> to vector<1x1024xf32>
    %add3A_57 = vector.broadcast %broadcast_in_dim3A_56 : vector<1x1024xf32> to vector<128x1024xf32>
    %add3A_58 = arith.addf %add3A_51, %add3A_57 : vector<128x1024xf32>
    %swap3A_59 = arith.constant 0 : index
    %swap3A_60 = arith.constant 1024 : index
    %swap3A_61 = vector.load %arg3[%swap3A_59, %swap3A_60] : memref<128x16384xf32, #tpu.memory_space<vmem>>, vector<128x1024xf32>
    tpu.vector_store %arg3[%swap3A_59, %swap3A_60], %add3A_58 {strides = array<i32>} : memref<128x16384xf32, #tpu.memory_space<vmem>>, vector<128x1024xf32>,
    %reduce_min3A_62 = arith.constant dense<0x7F800000> : vector<128xf32>
    %reduce_min3A_63 = vector.multi_reduction <minimumf>, %add3A_58, %reduce_min3A_62 [1] : vector<128x1024xf32> to vector<128xf32>
    %broadcast_in_dim3A_64 = vector.shape_cast %reduce_min3A_63 : vector<128xf32> to vector<128x1xf32>
    %iota3A_65 = tpu.iota {dimensions = array<i32: 1>} : vector<128x1024xi32>
    %eq3A_66 = vector.broadcast %broadcast_in_dim3A_64 : vector<128x1xf32> to vector<128x1024xf32>
    %eq3A_67 = arith.cmpf oeq, %add3A_58, %eq3A_66 : vector<128x1024xf32>
    %jit3A_68 = arith.constant 1024 : i32
    %broadcast_in_dim3A_69 = vector.broadcast %jit3A_68 : i32 to vector<128x1024xi32>
    %select_n3A_70 = arith.select %eq3A_67, %iota3A_65, %broadcast_in_dim3A_69 : vector<128x1024xi1>, vector<128x1024xi32>
    %reduce_min3A_71 = arith.constant dense<2147483647> : vector<128xi32>
    %reduce_min3A_72 = vector.multi_reduction <minsi>, %select_n3A_70, %reduce_min3A_71 [1] : vector<128x1024xi32> to vector<128xi32>
    %swap3A_73 = arith.constant 0 : index
    %swap3A_74 = arith.constant 1 : index
    %swap3A_75 = vector.load %arg4[%swap3A_73, %swap3A_74] : memref<128x16xi32, #tpu.memory_space<vmem>>, vector<128x1xi32>
    %swap3A_76 = vector.shape_cast %swap3A_75 : vector<128x1xi32> to vector<128xi32>
    %swap3A_77 = vector.shape_cast %reduce_min3A_72 : vector<128xi32> to vector<128x1xi32>
    tpu.vector_store %arg4[%swap3A_73, %swap3A_74], %swap3A_77 {strides = array<i32>} : memref<128x16xi32, #tpu.memory_space<vmem>>, vector<128x1xi32>,
    %slice3A_78 = vector.extract_strided_slice %get3A_3 {offsets = [0, 128], sizes = [128, 64], strides = [1, 1]} : vector<128x1024xf32> to vector<128x64xf32>
    %slice3A_79 = vector.extract_strided_slice %mul3A_5 {offsets = [0, 128], sizes = [128, 64], strides = [1, 1]} : vector<128x1024xf32> to vector<128x64xf32>
    %get3A_80 = arith.constant 2 : index
    %get3A_81 = arith.constant 0 : index
    %get3A_82 = arith.constant 0 : index
    %get3A_83 = vector.load %arg2[%get3A_80, %get3A_81, %get3A_82] : memref<16x1024x64xf32, #tpu.memory_space<vmem>>, vector<1x1024x64xf32>
    %get3A_84 = vector.shape_cast %get3A_83 : vector<1x1024x64xf32> to vector<1024x64xf32>
    %dot_general3A_85 = arith.constant dense<0.000000e+00> : vector<128x1024xf32>
    %dot_general3A_86 = tpu.matmul %slice3A_79, %get3A_84, %dot_general3A_85 {dimension_numbers = #tpu.dot_dimension_numbers<[1], [1], [0], [0], [0, 0, 1, 0], [], []>, transpose_lhs_hint = false} : vector<128x64xf32>, vector<1024x64xf32>, vector<128x1024xf32> -> vector<128x1024xf32>
    %mul3A_87 = arith.mulf %slice3A_78, %slice3A_78 : vector<128x64xf32>
    %reduce_sum3A_88 = arith.constant dense<0.000000e+00> : vector<128xf32>
    %reduce_sum3A_89 = vector.multi_reduction <add>, %mul3A_87, %reduce_sum3A_88 [1] : vector<128x64xf32> to vector<128xf32>
    %broadcast_in_dim3A_90 = vector.shape_cast %reduce_sum3A_89 : vector<128xf32> to vector<128x1xf32>
    %add3A_91 = vector.broadcast %broadcast_in_dim3A_90 : vector<128x1xf32> to vector<128x1024xf32>
    %add3A_92 = arith.addf %add3A_91, %dot_general3A_86 : vector<128x1024xf32>
    %get3A_93 = arith.constant 2 : index
    %get3A_94 = arith.constant 0 : index
    %get3A_95 = vector.load %arg5[%get3A_93, %get3A_94] : memref<16x1024xf32, #tpu.memory_space<vmem>>, vector<1x1024xf32>
    %get3A_96 = vector.shape_cast %get3A_95 : vector<1x1024xf32> to vector<1024xf32>
    %broadcast_in_dim3A_97 = vector.shape_cast %get3A_96 : vector<1024xf32> to vector<1x1024xf32>
    %add3A_98 = vector.broadcast %broadcast_in_dim3A_97 : vector<1x1024xf32> to vector<128x1024xf32>
    %add3A_99 = arith.addf %add3A_92, %add3A_98 : vector<128x1024xf32>
    %swap3A_100 = arith.constant 0 : index
    %swap3A_101 = arith.constant 2048 : index
    %swap3A_102 = vector.load %arg3[%swap3A_100, %swap3A_101] : memref<128x16384xf32, #tpu.memory_space<vmem>>, vector<128x1024xf32>
    tpu.vector_store %arg3[%swap3A_100, %swap3A_101], %add3A_99 {strides = array<i32>} : memref<128x16384xf32, #tpu.memory_space<vmem>>, vector<128x1024xf32>,
    %reduce_min3A_103 = arith.constant dense<0x7F800000> : vector<128xf32>
    %reduce_min3A_104 = vector.multi_reduction <minimumf>, %add3A_99, %reduce_min3A_103 [1] : vector<128x1024xf32> to vector<128xf32>
    %broadcast_in_dim3A_105 = vector.shape_cast %reduce_min3A_104 : vector<128xf32> to vector<128x1xf32>
    %iota3A_106 = tpu.iota {dimensions = array<i32: 1>} : vector<128x1024xi32>
    %eq3A_107 = vector.broadcast %broadcast_in_dim3A_105 : vector<128x1xf32> to vector<128x1024xf32>
    %eq3A_108 = arith.cmpf oeq, %add3A_99, %eq3A_107 : vector<128x1024xf32>
    %jit3A_109 = arith.constant 1024 : i32
    %broadcast_in_dim3A_110 = vector.broadcast %jit3A_109 : i32 to vector<128x1024xi32>
    %select_n3A_111 = arith.select %eq3A_108, %iota3A_106, %broadcast_in_dim3A_110 : vector<128x1024xi1>, vector<128x1024xi32>
    %reduce_min3A_112 = arith.constant dense<2147483647> : vector<128xi32>
    %reduce_min3A_113 = vector.multi_reduction <minsi>, %select_n3A_111, %reduce_min3A_112 [1] : vector<128x1024xi32> to vector<128xi32>
    %swap3A_114 = arith.constant 0 : index
    %swap3A_115 = arith.constant 2 : index
    %swap3A_116 = vector.load %arg4[%swap3A_114, %swap3A_115] : memref<128x16xi32, #tpu.memory_space<vmem>>, vector<128x1xi32>
    %swap3A_117 = vector.shape_cast %swap3A_116 : vector<128x1xi32> to vector<128xi32>
    %swap3A_118 = vector.shape_cast %reduce_min3A_113 : vector<128xi32> to vector<128x1xi32>
    tpu.vector_store %arg4[%swap3A_114, %swap3A_115], %swap3A_118 {strides = array<i32>} : memref<128x16xi32, #tpu.memory_space<vmem>>, vector<128x1xi32>,
    %slice3A_119 = vector.extract_strided_slice %get3A_3 {offsets = [0, 192], sizes = [128, 64], strides = [1, 1]} : vector<128x1024xf32> to vector<128x64xf32>
    %slice3A_120 = vector.extract_strided_slice %mul3A_5 {offsets = [0, 192], sizes = [128, 64], strides = [1, 1]} : vector<128x1024xf32> to vector<128x64xf32>
    %get3A_121 = arith.constant 3 : index
    %get3A_122 = arith.constant 0 : index
    %get3A_123 = arith.constant 0 : index
    %get3A_124 = vector.load %arg2[%get3A_121, %get3A_122, %get3A_123] : memref<16x1024x64xf32, #tpu.memory_space<vmem>>, vector<1x1024x64xf32>
    %get3A_125 = vector.shape_cast %get3A_124 : vector<1x1024x64xf32> to vector<1024x64xf32>
    %dot_general3A_126 = arith.constant dense<0.000000e+00> : vector<128x1024xf32>
    %dot_general3A_127 = tpu.matmul %slice3A_120, %get3A_125, %dot_general3A_126 {dimension_numbers = #tpu.dot_dimension_numbers<[1], [1], [0], [0], [0, 0, 1, 0], [], []>, transpose_lhs_hint = false} : vector<128x64xf32>, vector<1024x64xf32>, vector<128x1024xf32> -> vector<128x1024xf32>
    %mul3A_128 = arith.mulf %slice3A_119, %slice3A_119 : vector<128x64xf32>
    %reduce_sum3A_129 = arith.constant dense<0.000000e+00> : vector<128xf32>
    %reduce_sum3A_130 = vector.multi_reduction <add>, %mul3A_128, %reduce_sum3A_129 [1] : vector<128x64xf32> to vector<128xf32>
    %broadcast_in_dim3A_131 = vector.shape_cast %reduce_sum3A_130 : vector<128xf32> to vector<128x1xf32>
    %add3A_132 = vector.broadcast %broadcast_in_dim3A_131 : vector<128x1xf32> to vector<128x1024xf32>
    %add3A_133 = arith.addf %add3A_132, %dot_general3A_127 : vector<128x1024xf32>
    %get3A_134 = arith.constant 3 : index
    %get3A_135 = arith.constant 0 : index
    %get3A_136 = vector.load %arg5[%get3A_134, %get3A_135] : memref<16x1024xf32, #tpu.memory_space<vmem>>, vector<1x1024xf32>
    %get3A_137 = vector.shape_cast %get3A_136 : vector<1x1024xf32> to vector<1024xf32>
    %broadcast_in_dim3A_138 = vector.shape_cast %get3A_137 : vector<1024xf32> to vector<1x1024xf32>
    %add3A_139 = vector.broadcast %broadcast_in_dim3A_138 : vector<1x1024xf32> to vector<128x1024xf32>
    %add3A_140 = arith.addf %add3A_133, %add3A_139 : vector<128x1024xf32>
    %swap3A_141 = arith.constant 0 : index
    %swap3A_142 = arith.constant 3072 : index
    %swap3A_143 = vector.load %arg3[%swap3A_141, %swap3A_142] : memref<128x16384xf32, #tpu.memory_space<vmem>>, vector<128x1024xf32>
    tpu.vector_store %arg3[%swap3A_141, %swap3A_142], %add3A_140 {strides = array<i32>} : memref<128x16384xf32, #tpu.memory_space<vmem>>, vector<128x1024xf32>,
    %reduce_min3A_144 = arith.constant dense<0x7F800000> : vector<128xf32>
    %reduce_min3A_145 = vector.multi_reduction <minimumf>, %add3A_140, %reduce_min3A_144 [1] : vector<128x1024xf32> to vector<128xf32>
    %broadcast_in_dim3A_146 = vector.shape_cast %reduce_min3A_145 : vector<128xf32> to vector<128x1xf32>
    %iota3A_147 = tpu.iota {dimensions = array<i32: 1>} : vector<128x1024xi32>
    %eq3A_148 = vector.broadcast %broadcast_in_dim3A_146 : vector<128x1xf32> to vector<128x1024xf32>
    %eq3A_149 = arith.cmpf oeq, %add3A_140, %eq3A_148 : vector<128x1024xf32>
    %jit3A_150 = arith.constant 1024 : i32
    %broadcast_in_dim3A_151 = vector.broadcast %jit3A_150 : i32 to vector<128x1024xi32>
    %select_n3A_152 = arith.select %eq3A_149, %iota3A_147, %broadcast_in_dim3A_151 : vector<128x1024xi1>, vector<128x1024xi32>
    %reduce_min3A_153 = arith.constant dense<2147483647> : vector<128xi32>
    %reduce_min3A_154 = vector.multi_reduction <minsi>, %select_n3A_152, %reduce_min3A_153 [1] : vector<128x1024xi32> to vector<128xi32>
    %swap3A_155 = arith.constant 0 : index
    %swap3A_156 = arith.constant 3 : index
    %swap3A_157 = vector.load %arg4[%swap3A_155, %swap3A_156] : memref<128x16xi32, #tpu.memory_space<vmem>>, vector<128x1xi32>
    %swap3A_158 = vector.shape_cast %swap3A_157 : vector<128x1xi32> to vector<128xi32>
    %swap3A_159 = vector.shape_cast %reduce_min3A_154 : vector<128xi32> to vector<128x1xi32>
    tpu.vector_store %arg4[%swap3A_155, %swap3A_156], %swap3A_159 {strides = array<i32>} : memref<128x16xi32, #tpu.memory_space<vmem>>, vector<128x1xi32>,
    %slice3A_160 = vector.extract_strided_slice %get3A_3 {offsets = [0, 256], sizes = [128, 64], strides = [1, 1]} : vector<128x1024xf32> to vector<128x64xf32>
    %slice3A_161 = vector.extract_strided_slice %mul3A_5 {offsets = [0, 256], sizes = [128, 64], strides = [1, 1]} : vector<128x1024xf32> to vector<128x64xf32>
    %get3A_162 = arith.constant 4 : index
    %get3A_163 = arith.constant 0 : index
    %get3A_164 = arith.constant 0 : index
    %get3A_165 = vector.load %arg2[%get3A_162, %get3A_163, %get3A_164] : memref<16x1024x64xf32, #tpu.memory_space<vmem>>, vector<1x1024x64xf32>
    %get3A_166 = vector.shape_cast %get3A_165 : vector<1x1024x64xf32> to vector<1024x64xf32>
    %dot_general3A_167 = arith.constant dense<0.000000e+00> : vector<128x1024xf32>
    %dot_general3A_168 = tpu.matmul %slice3A_161, %get3A_166, %dot_general3A_167 {dimension_numbers = #tpu.dot_dimension_numbers<[1], [1], [0], [0], [0, 0, 1, 0], [], []>, transpose_lhs_hint = false} : vector<128x64xf32>, vector<1024x64xf32>, vector<128x1024xf32> -> vector<128x1024xf32>
    %mul3A_169 = arith.mulf %slice3A_160, %slice3A_160 : vector<128x64xf32>
    %reduce_sum3A_170 = arith.constant dense<0.000000e+00> : vector<128xf32>
    %reduce_sum3A_171 = vector.multi_reduction <add>, %mul3A_169, %reduce_sum3A_170 [1] : vector<128x64xf32> to vector<128xf32>
    %broadcast_in_dim3A_172 = vector.shape_cast %reduce_sum3A_171 : vector<128xf32> to vector<128x1xf32>
    %add3A_173 = vector.broadcast %broadcast_in_dim3A_172 : vector<128x1xf32> to vector<128x1024xf32>
    %add3A_174 = arith.addf %add3A_173, %dot_general3A_168 : vector<128x1024xf32>
    %get3A_175 = arith.constant 4 : index
    %get3A_176 = arith.constant 0 : index
    %get3A_177 = vector.load %arg5[%get3A_175, %get3A_176] : memref<16x1024xf32, #tpu.memory_space<vmem>>, vector<1x1024xf32>
    %get3A_178 = vector.shape_cast %get3A_177 : vector<1x1024xf32> to vector<1024xf32>
    %broadcast_in_dim3A_179 = vector.shape_cast %get3A_178 : vector<1024xf32> to vector<1x1024xf32>
    %add3A_180 = vector.broadcast %broadcast_in_dim3A_179 : vector<1x1024xf32> to vector<128x1024xf32>
    %add3A_181 = arith.addf %add3A_174, %add3A_180 : vector<128x1024xf32>
    %swap3A_182 = arith.constant 0 : index
    %swap3A_183 = arith.constant 4096 : index
    %swap3A_184 = vector.load %arg3[%swap3A_182, %swap3A_183] : memref<128x16384xf32, #tpu.memory_space<vmem>>, vector<128x1024xf32>
    tpu.vector_store %arg3[%swap3A_182, %swap3A_183], %add3A_181 {strides = array<i32>} : memref<128x16384xf32, #tpu.memory_space<vmem>>, vector<128x1024xf32>,
    %reduce_min3A_185 = arith.constant dense<0x7F800000> : vector<128xf32>
    %reduce_min3A_186 = vector.multi_reduction <minimumf>, %add3A_181, %reduce_min3A_185 [1] : vector<128x1024xf32> to vector<128xf32>
    %broadcast_in_dim3A_187 = vector.shape_cast %reduce_min3A_186 : vector<128xf32> to vector<128x1xf32>
    %iota3A_188 = tpu.iota {dimensions = array<i32: 1>} : vector<128x1024xi32>
    %eq3A_189 = vector.broadcast %broadcast_in_dim3A_187 : vector<128x1xf32> to vector<128x1024xf32>
    %eq3A_190 = arith.cmpf oeq, %add3A_181, %eq3A_189 : vector<128x1024xf32>
    %jit3A_191 = arith.constant 1024 : i32
    %broadcast_in_dim3A_192 = vector.broadcast %jit3A_191 : i32 to vector<128x1024xi32>
    %select_n3A_193 = arith.select %eq3A_190, %iota3A_188, %broadcast_in_dim3A_192 : vector<128x1024xi1>, vector<128x1024xi32>
    %reduce_min3A_194 = arith.constant dense<2147483647> : vector<128xi32>
    %reduce_min3A_195 = vector.multi_reduction <minsi>, %select_n3A_193, %reduce_min3A_194 [1] : vector<128x1024xi32> to vector<128xi32>
    %swap3A_196 = arith.constant 0 : index
    %swap3A_197 = arith.constant 4 : index
    %swap3A_198 = vector.load %arg4[%swap3A_196, %swap3A_197] : memref<128x16xi32, #tpu.memory_space<vmem>>, vector<128x1xi32>
    %swap3A_199 = vector.shape_cast %swap3A_198 : vector<128x1xi32> to vector<128xi32>
    %swap3A_200 = vector.shape_cast %reduce_min3A_195 : vector<128xi32> to vector<128x1xi32>
    tpu.vector_store %arg4[%swap3A_196, %swap3A_197], %swap3A_200 {strides = array<i32>} : memref<128x16xi32, #tpu.memory_space<vmem>>, vector<128x1xi32>,
    %slice3A_201 = vector.extract_strided_slice %get3A_3 {offsets = [0, 320], sizes = [128, 64], strides = [1, 1]} : vector<128x1024xf32> to vector<128x64xf32>
    %slice3A_202 = vector.extract_strided_slice %mul3A_5 {offsets = [0, 320], sizes = [128, 64], strides = [1, 1]} : vector<128x1024xf32> to vector<128x64xf32>
    %get3A_203 = arith.constant 5 : index
    %get3A_204 = arith.constant 0 : index
    %get3A_205 = arith.constant 0 : index
    %get3A_206 = vector.load %arg2[%get3A_203, %get3A_204, %get3A_205] : memref<16x1024x64xf32, #tpu.memory_space<vmem>>, vector<1x1024x64xf32>
    %get3A_207 = vector.shape_cast %get3A_206 : vector<1x1024x64xf32> to vector<1024x64xf32>
    %dot_general3A_208 = arith.constant dense<0.000000e+00> : vector<128x1024xf32>
    %dot_general3A_209 = tpu.matmul %slice3A_202, %get3A_207, %dot_general3A_208 {dimension_numbers = #tpu.dot_dimension_numbers<[1], [1], [0], [0], [0, 0, 1, 0], [], []>, transpose_lhs_hint = false} : vector<128x64xf32>, vector<1024x64xf32>, vector<128x1024xf32> -> vector<128x1024xf32>
    %mul3A_210 = arith.mulf %slice3A_201, %slice3A_201 : vector<128x64xf32>
    %reduce_sum3A_211 = arith.constant dense<0.000000e+00> : vector<128xf32>
    %reduce_sum3A_212 = vector.multi_reduction <add>, %mul3A_210, %reduce_sum3A_211 [1] : vector<128x64xf32> to vector<128xf32>
    %broadcast_in_dim3A_213 = vector.shape_cast %reduce_sum3A_212 : vector<128xf32> to vector<128x1xf32>
    %add3A_214 = vector.broadcast %broadcast_in_dim3A_213 : vector<128x1xf32> to vector<128x1024xf32>
    %add3A_215 = arith.addf %add3A_214, %dot_general3A_209 : vector<128x1024xf32>
    %get3A_216 = arith.constant 5 : index
    %get3A_217 = arith.constant 0 : index
    %get3A_218 = vector.load %arg5[%get3A_216, %get3A_217] : memref<16x1024xf32, #tpu.memory_space<vmem>>, vector<1x1024xf32>
    %get3A_219 = vector.shape_cast %get3A_218 : vector<1x1024xf32> to vector<1024xf32>
    %broadcast_in_dim3A_220 = vector.shape_cast %get3A_219 : vector<1024xf32> to vector<1x1024xf32>
    %add3A_221 = vector.broadcast %broadcast_in_dim3A_220 : vector<1x1024xf32> to vector<128x1024xf32>
    %add3A_222 = arith.addf %add3A_215, %add3A_221 : vector<128x1024xf32>
    %swap3A_223 = arith.constant 0 : index
    %swap3A_224 = arith.constant 5120 : index
    %swap3A_225 = vector.load %arg3[%swap3A_223, %swap3A_224] : memref<128x16384xf32, #tpu.memory_space<vmem>>, vector<128x1024xf32>
    tpu.vector_store %arg3[%swap3A_223, %swap3A_224], %add3A_222 {strides = array<i32>} : memref<128x16384xf32, #tpu.memory_space<vmem>>, vector<128x1024xf32>,
    %reduce_min3A_226 = arith.constant dense<0x7F800000> : vector<128xf32>
    %reduce_min3A_227 = vector.multi_reduction <minimumf>, %add3A_222, %reduce_min3A_226 [1] : vector<128x1024xf32> to vector<128xf32>
    %broadcast_in_dim3A_228 = vector.shape_cast %reduce_min3A_227 : vector<128xf32> to vector<128x1xf32>
    %iota3A_229 = tpu.iota {dimensions = array<i32: 1>} : vector<128x1024xi32>
    %eq3A_230 = vector.broadcast %broadcast_in_dim3A_228 : vector<128x1xf32> to vector<128x1024xf32>
    %eq3A_231 = arith.cmpf oeq, %add3A_222, %eq3A_230 : vector<128x1024xf32>
    %jit3A_232 = arith.constant 1024 : i32
    %broadcast_in_dim3A_233 = vector.broadcast %jit3A_232 : i32 to vector<128x1024xi32>
    %select_n3A_234 = arith.select %eq3A_231, %iota3A_229, %broadcast_in_dim3A_233 : vector<128x1024xi1>, vector<128x1024xi32>
    %reduce_min3A_235 = arith.constant dense<2147483647> : vector<128xi32>
    %reduce_min3A_236 = vector.multi_reduction <minsi>, %select_n3A_234, %reduce_min3A_235 [1] : vector<128x1024xi32> to vector<128xi32>
    %swap3A_237 = arith.constant 0 : index
    %swap3A_238 = arith.constant 5 : index
    %swap3A_239 = vector.load %arg4[%swap3A_237, %swap3A_238] : memref<128x16xi32, #tpu.memory_space<vmem>>, vector<128x1xi32>
    %swap3A_240 = vector.shape_cast %swap3A_239 : vector<128x1xi32> to vector<128xi32>
    %swap3A_241 = vector.shape_cast %reduce_min3A_236 : vector<128xi32> to vector<128x1xi32>
    tpu.vector_store %arg4[%swap3A_237, %swap3A_238], %swap3A_241 {strides = array<i32>} : memref<128x16xi32, #tpu.memory_space<vmem>>, vector<128x1xi32>,
    %slice3A_242 = vector.extract_strided_slice %get3A_3 {offsets = [0, 384], sizes = [128, 64], strides = [1, 1]} : vector<128x1024xf32> to vector<128x64xf32>
    %slice3A_243 = vector.extract_strided_slice %mul3A_5 {offsets = [0, 384], sizes = [128, 64], strides = [1, 1]} : vector<128x1024xf32> to vector<128x64xf32>
    %get3A_244 = arith.constant 6 : index
    %get3A_245 = arith.constant 0 : index
    %get3A_246 = arith.constant 0 : index
    %get3A_247 = vector.load %arg2[%get3A_244, %get3A_245, %get3A_246] : memref<16x1024x64xf32, #tpu.memory_space<vmem>>, vector<1x1024x64xf32>
    %get3A_248 = vector.shape_cast %get3A_247 : vector<1x1024x64xf32> to vector<1024x64xf32>
    %dot_general3A_249 = arith.constant dense<0.000000e+00> : vector<128x1024xf32>
    %dot_general3A_250 = tpu.matmul %slice3A_243, %get3A_248, %dot_general3A_249 {dimension_numbers = #tpu.dot_dimension_numbers<[1], [1], [0], [0], [0, 0, 1, 0], [], []>, transpose_lhs_hint = false} : vector<128x64xf32>, vector<1024x64xf32>, vector<128x1024xf32> -> vector<128x1024xf32>
    %mul3A_251 = arith.mulf %slice3A_242, %slice3A_242 : vector<128x64xf32>
    %reduce_sum3A_252 = arith.constant dense<0.000000e+00> : vector<128xf32>
    %reduce_sum3A_253 = vector.multi_reduction <add>, %mul3A_251, %reduce_sum3A_252 [1] : vector<128x64xf32> to vector<128xf32>
    %broadcast_in_dim3A_254 = vector.shape_cast %reduce_sum3A_253 : vector<128xf32> to vector<128x1xf32>
    %add3A_255 = vector.broadcast %broadcast_in_dim3A_254 : vector<128x1xf32> to vector<128x1024xf32>
    %add3A_256 = arith.addf %add3A_255, %dot_general3A_250 : vector<128x1024xf32>
    %get3A_257 = arith.constant 6 : index
    %get3A_258 = arith.constant 0 : index
    %get3A_259 = vector.load %arg5[%get3A_257, %get3A_258] : memref<16x1024xf32, #tpu.memory_space<vmem>>, vector<1x1024xf32>
    %get3A_260 = vector.shape_cast %get3A_259 : vector<1x1024xf32> to vector<1024xf32>
    %broadcast_in_dim3A_261 = vector.shape_cast %get3A_260 : vector<1024xf32> to vector<1x1024xf32>
    %add3A_262 = vector.broadcast %broadcast_in_dim3A_261 : vector<1x1024xf32> to vector<128x1024xf32>
    %add3A_263 = arith.addf %add3A_256, %add3A_262 : vector<128x1024xf32>
    %swap3A_264 = arith.constant 0 : index
    %swap3A_265 = arith.constant 6144 : index
    %swap3A_266 = vector.load %arg3[%swap3A_264, %swap3A_265] : memref<128x16384xf32, #tpu.memory_space<vmem>>, vector<128x1024xf32>
    tpu.vector_store %arg3[%swap3A_264, %swap3A_265], %add3A_263 {strides = array<i32>} : memref<128x16384xf32, #tpu.memory_space<vmem>>, vector<128x1024xf32>,
    %reduce_min3A_267 = arith.constant dense<0x7F800000> : vector<128xf32>
    %reduce_min3A_268 = vector.multi_reduction <minimumf>, %add3A_263, %reduce_min3A_267 [1] : vector<128x1024xf32> to vector<128xf32>
    %broadcast_in_dim3A_269 = vector.shape_cast %reduce_min3A_268 : vector<128xf32> to vector<128x1xf32>
    %iota3A_270 = tpu.iota {dimensions = array<i32: 1>} : vector<128x1024xi32>
    %eq3A_271 = vector.broadcast %broadcast_in_dim3A_269 : vector<128x1xf32> to vector<128x1024xf32>
    %eq3A_272 = arith.cmpf oeq, %add3A_263, %eq3A_271 : vector<128x1024xf32>
    %jit3A_273 = arith.constant 1024 : i32
    %broadcast_in_dim3A_274 = vector.broadcast %jit3A_273 : i32 to vector<128x1024xi32>
    %select_n3A_275 = arith.select %eq3A_272, %iota3A_270, %broadcast_in_dim3A_274 : vector<128x1024xi1>, vector<128x1024xi32>
    %reduce_min3A_276 = arith.constant dense<2147483647> : vector<128xi32>
    %reduce_min3A_277 = vector.multi_reduction <minsi>, %select_n3A_275, %reduce_min3A_276 [1] : vector<128x1024xi32> to vector<128xi32>
    %swap3A_278 = arith.constant 0 : index
    %swap3A_279 = arith.constant 6 : index
    %swap3A_280 = vector.load %arg4[%swap3A_278, %swap3A_279] : memref<128x16xi32, #tpu.memory_space<vmem>>, vector<128x1xi32>
    %swap3A_281 = vector.shape_cast %swap3A_280 : vector<128x1xi32> to vector<128xi32>
    %swap3A_282 = vector.shape_cast %reduce_min3A_277 : vector<128xi32> to vector<128x1xi32>
    tpu.vector_store %arg4[%swap3A_278, %swap3A_279], %swap3A_282 {strides = array<i32>} : memref<128x16xi32, #tpu.memory_space<vmem>>, vector<128x1xi32>,
    %slice3A_283 = vector.extract_strided_slice %get3A_3 {offsets = [0, 448], sizes = [128, 64], strides = [1, 1]} : vector<128x1024xf32> to vector<128x64xf32>
    %slice3A_284 = vector.extract_strided_slice %mul3A_5 {offsets = [0, 448], sizes = [128, 64], strides = [1, 1]} : vector<128x1024xf32> to vector<128x64xf32>
    %get3A_285 = arith.constant 7 : index
    %get3A_286 = arith.constant 0 : index
    %get3A_287 = arith.constant 0 : index
    %get3A_288 = vector.load %arg2[%get3A_285, %get3A_286, %get3A_287] : memref<16x1024x64xf32, #tpu.memory_space<vmem>>, vector<1x1024x64xf32>
    %get3A_289 = vector.shape_cast %get3A_288 : vector<1x1024x64xf32> to vector<1024x64xf32>
    %dot_general3A_290 = arith.constant dense<0.000000e+00> : vector<128x1024xf32>
    %dot_general3A_291 = tpu.matmul %slice3A_284, %get3A_289, %dot_general3A_290 {dimension_numbers = #tpu.dot_dimension_numbers<[1], [1], [0], [0], [0, 0, 1, 0], [], []>, transpose_lhs_hint = false} : vector<128x64xf32>, vector<1024x64xf32>, vector<128x1024xf32> -> vector<128x1024xf32>
    %mul3A_292 = arith.mulf %slice3A_283, %slice3A_283 : vector<128x64xf32>
    %reduce_sum3A_293 = arith.constant dense<0.000000e+00> : vector<128xf32>
    %reduce_sum3A_294 = vector.multi_reduction <add>, %mul3A_292, %reduce_sum3A_293 [1] : vector<128x64xf32> to vector<128xf32>
    %broadcast_in_dim3A_295 = vector.shape_cast %reduce_sum3A_294 : vector<128xf32> to vector<128x1xf32>
    %add3A_296 = vector.broadcast %broadcast_in_dim3A_295 : vector<128x1xf32> to vector<128x1024xf32>
    %add3A_297 = arith.addf %add3A_296, %dot_general3A_291 : vector<128x1024xf32>
    %get3A_298 = arith.constant 7 : index
    %get3A_299 = arith.constant 0 : index
    %get3A_300 = vector.load %arg5[%get3A_298, %get3A_299] : memref<16x1024xf32, #tpu.memory_space<vmem>>, vector<1x1024xf32>
    %get3A_301 = vector.shape_cast %get3A_300 : vector<1x1024xf32> to vector<1024xf32>
    %broadcast_in_dim3A_302 = vector.shape_cast %get3A_301 : vector<1024xf32> to vector<1x1024xf32>
    %add3A_303 = vector.broadcast %broadcast_in_dim3A_302 : vector<1x1024xf32> to vector<128x1024xf32>
    %add3A_304 = arith.addf %add3A_297, %add3A_303 : vector<128x1024xf32>
    %swap3A_305 = arith.constant 0 : index
    %swap3A_306 = arith.constant 7168 : index
    %swap3A_307 = vector.load %arg3[%swap3A_305, %swap3A_306] : memref<128x16384xf32, #tpu.memory_space<vmem>>, vector<128x1024xf32>
    tpu.vector_store %arg3[%swap3A_305, %swap3A_306], %add3A_304 {strides = array<i32>} : memref<128x16384xf32, #tpu.memory_space<vmem>>, vector<128x1024xf32>,
    %reduce_min3A_308 = arith.constant dense<0x7F800000> : vector<128xf32>
    %reduce_min3A_309 = vector.multi_reduction <minimumf>, %add3A_304, %reduce_min3A_308 [1] : vector<128x1024xf32> to vector<128xf32>
    %broadcast_in_dim3A_310 = vector.shape_cast %reduce_min3A_309 : vector<128xf32> to vector<128x1xf32>
    %iota3A_311 = tpu.iota {dimensions = array<i32: 1>} : vector<128x1024xi32>
    %eq3A_312 = vector.broadcast %broadcast_in_dim3A_310 : vector<128x1xf32> to vector<128x1024xf32>
    %eq3A_313 = arith.cmpf oeq, %add3A_304, %eq3A_312 : vector<128x1024xf32>
    %jit3A_314 = arith.constant 1024 : i32
    %broadcast_in_dim3A_315 = vector.broadcast %jit3A_314 : i32 to vector<128x1024xi32>
    %select_n3A_316 = arith.select %eq3A_313, %iota3A_311, %broadcast_in_dim3A_315 : vector<128x1024xi1>, vector<128x1024xi32>
    %reduce_min3A_317 = arith.constant dense<2147483647> : vector<128xi32>
    %reduce_min3A_318 = vector.multi_reduction <minsi>, %select_n3A_316, %reduce_min3A_317 [1] : vector<128x1024xi32> to vector<128xi32>
    %swap3A_319 = arith.constant 0 : index
    %swap3A_320 = arith.constant 7 : index
    %swap3A_321 = vector.load %arg4[%swap3A_319, %swap3A_320] : memref<128x16xi32, #tpu.memory_space<vmem>>, vector<128x1xi32>
    %swap3A_322 = vector.shape_cast %swap3A_321 : vector<128x1xi32> to vector<128xi32>
    %swap3A_323 = vector.shape_cast %reduce_min3A_318 : vector<128xi32> to vector<128x1xi32>
    tpu.vector_store %arg4[%swap3A_319, %swap3A_320], %swap3A_323 {strides = array<i32>} : memref<128x16xi32, #tpu.memory_space<vmem>>, vector<128x1xi32>,
    %slice3A_324 = vector.extract_strided_slice %get3A_3 {offsets = [0, 512], sizes = [128, 64], strides = [1, 1]} : vector<128x1024xf32> to vector<128x64xf32>
    %slice3A_325 = vector.extract_strided_slice %mul3A_5 {offsets = [0, 512], sizes = [128, 64], strides = [1, 1]} : vector<128x1024xf32> to vector<128x64xf32>
    %get3A_326 = arith.constant 8 : index
    %get3A_327 = arith.constant 0 : index
    %get3A_328 = arith.constant 0 : index
    %get3A_329 = vector.load %arg2[%get3A_326, %get3A_327, %get3A_328] : memref<16x1024x64xf32, #tpu.memory_space<vmem>>, vector<1x1024x64xf32>
    %get3A_330 = vector.shape_cast %get3A_329 : vector<1x1024x64xf32> to vector<1024x64xf32>
    %dot_general3A_331 = arith.constant dense<0.000000e+00> : vector<128x1024xf32>
    %dot_general3A_332 = tpu.matmul %slice3A_325, %get3A_330, %dot_general3A_331 {dimension_numbers = #tpu.dot_dimension_numbers<[1], [1], [0], [0], [0, 0, 1, 0], [], []>, transpose_lhs_hint = false} : vector<128x64xf32>, vector<1024x64xf32>, vector<128x1024xf32> -> vector<128x1024xf32>
    %mul3A_333 = arith.mulf %slice3A_324, %slice3A_324 : vector<128x64xf32>
    %reduce_sum3A_334 = arith.constant dense<0.000000e+00> : vector<128xf32>
    %reduce_sum3A_335 = vector.multi_reduction <add>, %mul3A_333, %reduce_sum3A_334 [1] : vector<128x64xf32> to vector<128xf32>
    %broadcast_in_dim3A_336 = vector.shape_cast %reduce_sum3A_335 : vector<128xf32> to vector<128x1xf32>
    %add3A_337 = vector.broadcast %broadcast_in_dim3A_336 : vector<128x1xf32> to vector<128x1024xf32>
    %add3A_338 = arith.addf %add3A_337, %dot_general3A_332 : vector<128x1024xf32>
    %get3A_339 = arith.constant 8 : index
    %get3A_340 = arith.constant 0 : index
    %get3A_341 = vector.load %arg5[%get3A_339, %get3A_340] : memref<16x1024xf32, #tpu.memory_space<vmem>>, vector<1x1024xf32>
    %get3A_342 = vector.shape_cast %get3A_341 : vector<1x1024xf32> to vector<1024xf32>
    %broadcast_in_dim3A_343 = vector.shape_cast %get3A_342 : vector<1024xf32> to vector<1x1024xf32>
    %add3A_344 = vector.broadcast %broadcast_in_dim3A_343 : vector<1x1024xf32> to vector<128x1024xf32>
    %add3A_345 = arith.addf %add3A_338, %add3A_344 : vector<128x1024xf32>
    %swap3A_346 = arith.constant 0 : index
    %swap3A_347 = arith.constant 8192 : index
    %swap3A_348 = vector.load %arg3[%swap3A_346, %swap3A_347] : memref<128x16384xf32, #tpu.memory_space<vmem>>, vector<128x1024xf32>
    tpu.vector_store %arg3[%swap3A_346, %swap3A_347], %add3A_345 {strides = array<i32>} : memref<128x16384xf32, #tpu.memory_space<vmem>>, vector<128x1024xf32>,
    %reduce_min3A_349 = arith.constant dense<0x7F800000> : vector<128xf32>
    %reduce_min3A_350 = vector.multi_reduction <minimumf>, %add3A_345, %reduce_min3A_349 [1] : vector<128x1024xf32> to vector<128xf32>
    %broadcast_in_dim3A_351 = vector.shape_cast %reduce_min3A_350 : vector<128xf32> to vector<128x1xf32>
    %iota3A_352 = tpu.iota {dimensions = array<i32: 1>} : vector<128x1024xi32>
    %eq3A_353 = vector.broadcast %broadcast_in_dim3A_351 : vector<128x1xf32> to vector<128x1024xf32>
    %eq3A_354 = arith.cmpf oeq, %add3A_345, %eq3A_353 : vector<128x1024xf32>
    %jit3A_355 = arith.constant 1024 : i32
    %broadcast_in_dim3A_356 = vector.broadcast %jit3A_355 : i32 to vector<128x1024xi32>
    %select_n3A_357 = arith.select %eq3A_354, %iota3A_352, %broadcast_in_dim3A_356 : vector<128x1024xi1>, vector<128x1024xi32>
    %reduce_min3A_358 = arith.constant dense<2147483647> : vector<128xi32>
    %reduce_min3A_359 = vector.multi_reduction <minsi>, %select_n3A_357, %reduce_min3A_358 [1] : vector<128x1024xi32> to vector<128xi32>
    %swap3A_360 = arith.constant 0 : index
    %swap3A_361 = arith.constant 8 : index
    %swap3A_362 = vector.load %arg4[%swap3A_360, %swap3A_361] : memref<128x16xi32, #tpu.memory_space<vmem>>, vector<128x1xi32>
    %swap3A_363 = vector.shape_cast %swap3A_362 : vector<128x1xi32> to vector<128xi32>
    %swap3A_364 = vector.shape_cast %reduce_min3A_359 : vector<128xi32> to vector<128x1xi32>
    tpu.vector_store %arg4[%swap3A_360, %swap3A_361], %swap3A_364 {strides = array<i32>} : memref<128x16xi32, #tpu.memory_space<vmem>>, vector<128x1xi32>,
    %slice3A_365 = vector.extract_strided_slice %get3A_3 {offsets = [0, 576], sizes = [128, 64], strides = [1, 1]} : vector<128x1024xf32> to vector<128x64xf32>
    %slice3A_366 = vector.extract_strided_slice %mul3A_5 {offsets = [0, 576], sizes = [128, 64], strides = [1, 1]} : vector<128x1024xf32> to vector<128x64xf32>
    %get3A_367 = arith.constant 9 : index
    %get3A_368 = arith.constant 0 : index
    %get3A_369 = arith.constant 0 : index
    %get3A_370 = vector.load %arg2[%get3A_367, %get3A_368, %get3A_369] : memref<16x1024x64xf32, #tpu.memory_space<vmem>>, vector<1x1024x64xf32>
    %get3A_371 = vector.shape_cast %get3A_370 : vector<1x1024x64xf32> to vector<1024x64xf32>
    %dot_general3A_372 = arith.constant dense<0.000000e+00> : vector<128x1024xf32>
    %dot_general3A_373 = tpu.matmul %slice3A_366, %get3A_371, %dot_general3A_372 {dimension_numbers = #tpu.dot_dimension_numbers<[1], [1], [0], [0], [0, 0, 1, 0], [], []>, transpose_lhs_hint = false} : vector<128x64xf32>, vector<1024x64xf32>, vector<128x1024xf32> -> vector<128x1024xf32>
    %mul3A_374 = arith.mulf %slice3A_365, %slice3A_365 : vector<128x64xf32>
    %reduce_sum3A_375 = arith.constant dense<0.000000e+00> : vector<128xf32>
    %reduce_sum3A_376 = vector.multi_reduction <add>, %mul3A_374, %reduce_sum3A_375 [1] : vector<128x64xf32> to vector<128xf32>
    %broadcast_in_dim3A_377 = vector.shape_cast %reduce_sum3A_376 : vector<128xf32> to vector<128x1xf32>
    %add3A_378 = vector.broadcast %broadcast_in_dim3A_377 : vector<128x1xf32> to vector<128x1024xf32>
    %add3A_379 = arith.addf %add3A_378, %dot_general3A_373 : vector<128x1024xf32>
    %get3A_380 = arith.constant 9 : index
    %get3A_381 = arith.constant 0 : index
    %get3A_382 = vector.load %arg5[%get3A_380, %get3A_381] : memref<16x1024xf32, #tpu.memory_space<vmem>>, vector<1x1024xf32>
    %get3A_383 = vector.shape_cast %get3A_382 : vector<1x1024xf32> to vector<1024xf32>
    %broadcast_in_dim3A_384 = vector.shape_cast %get3A_383 : vector<1024xf32> to vector<1x1024xf32>
    %add3A_385 = vector.broadcast %broadcast_in_dim3A_384 : vector<1x1024xf32> to vector<128x1024xf32>
    %add3A_386 = arith.addf %add3A_379, %add3A_385 : vector<128x1024xf32>
    %swap3A_387 = arith.constant 0 : index
    %swap3A_388 = arith.constant 9216 : index
    %swap3A_389 = vector.load %arg3[%swap3A_387, %swap3A_388] : memref<128x16384xf32, #tpu.memory_space<vmem>>, vector<128x1024xf32>
    tpu.vector_store %arg3[%swap3A_387, %swap3A_388], %add3A_386 {strides = array<i32>} : memref<128x16384xf32, #tpu.memory_space<vmem>>, vector<128x1024xf32>,
    %reduce_min3A_390 = arith.constant dense<0x7F800000> : vector<128xf32>
    %reduce_min3A_391 = vector.multi_reduction <minimumf>, %add3A_386, %reduce_min3A_390 [1] : vector<128x1024xf32> to vector<128xf32>
    %broadcast_in_dim3A_392 = vector.shape_cast %reduce_min3A_391 : vector<128xf32> to vector<128x1xf32>
    %iota3A_393 = tpu.iota {dimensions = array<i32: 1>} : vector<128x1024xi32>
    %eq3A_394 = vector.broadcast %broadcast_in_dim3A_392 : vector<128x1xf32> to vector<128x1024xf32>
    %eq3A_395 = arith.cmpf oeq, %add3A_386, %eq3A_394 : vector<128x1024xf32>
    %jit3A_396 = arith.constant 1024 : i32
    %broadcast_in_dim3A_397 = vector.broadcast %jit3A_396 : i32 to vector<128x1024xi32>
    %select_n3A_398 = arith.select %eq3A_395, %iota3A_393, %broadcast_in_dim3A_397 : vector<128x1024xi1>, vector<128x1024xi32>
    %reduce_min3A_399 = arith.constant dense<2147483647> : vector<128xi32>
    %reduce_min3A_400 = vector.multi_reduction <minsi>, %select_n3A_398, %reduce_min3A_399 [1] : vector<128x1024xi32> to vector<128xi32>
    %swap3A_401 = arith.constant 0 : index
    %swap3A_402 = arith.constant 9 : index
    %swap3A_403 = vector.load %arg4[%swap3A_401, %swap3A_402] : memref<128x16xi32, #tpu.memory_space<vmem>>, vector<128x1xi32>
    %swap3A_404 = vector.shape_cast %swap3A_403 : vector<128x1xi32> to vector<128xi32>
    %swap3A_405 = vector.shape_cast %reduce_min3A_400 : vector<128xi32> to vector<128x1xi32>
    tpu.vector_store %arg4[%swap3A_401, %swap3A_402], %swap3A_405 {strides = array<i32>} : memref<128x16xi32, #tpu.memory_space<vmem>>, vector<128x1xi32>,
    %slice3A_406 = vector.extract_strided_slice %get3A_3 {offsets = [0, 640], sizes = [128, 64], strides = [1, 1]} : vector<128x1024xf32> to vector<128x64xf32>
    %slice3A_407 = vector.extract_strided_slice %mul3A_5 {offsets = [0, 640], sizes = [128, 64], strides = [1, 1]} : vector<128x1024xf32> to vector<128x64xf32>
    %get3A_408 = arith.constant 10 : index
    %get3A_409 = arith.constant 0 : index
    %get3A_410 = arith.constant 0 : index
    %get3A_411 = vector.load %arg2[%get3A_408, %get3A_409, %get3A_410] : memref<16x1024x64xf32, #tpu.memory_space<vmem>>, vector<1x1024x64xf32>
    %get3A_412 = vector.shape_cast %get3A_411 : vector<1x1024x64xf32> to vector<1024x64xf32>
    %dot_general3A_413 = arith.constant dense<0.000000e+00> : vector<128x1024xf32>
    %dot_general3A_414 = tpu.matmul %slice3A_407, %get3A_412, %dot_general3A_413 {dimension_numbers = #tpu.dot_dimension_numbers<[1], [1], [0], [0], [0, 0, 1, 0], [], []>, transpose_lhs_hint = false} : vector<128x64xf32>, vector<1024x64xf32>, vector<128x1024xf32> -> vector<128x1024xf32>
    %mul3A_415 = arith.mulf %slice3A_406, %slice3A_406 : vector<128x64xf32>
    %reduce_sum3A_416 = arith.constant dense<0.000000e+00> : vector<128xf32>
    %reduce_sum3A_417 = vector.multi_reduction <add>, %mul3A_415, %reduce_sum3A_416 [1] : vector<128x64xf32> to vector<128xf32>
    %broadcast_in_dim3A_418 = vector.shape_cast %reduce_sum3A_417 : vector<128xf32> to vector<128x1xf32>
    %add3A_419 = vector.broadcast %broadcast_in_dim3A_418 : vector<128x1xf32> to vector<128x1024xf32>
    %add3A_420 = arith.addf %add3A_419, %dot_general3A_414 : vector<128x1024xf32>
    %get3A_421 = arith.constant 10 : index
    %get3A_422 = arith.constant 0 : index
    %get3A_423 = vector.load %arg5[%get3A_421, %get3A_422] : memref<16x1024xf32, #tpu.memory_space<vmem>>, vector<1x1024xf32>
    %get3A_424 = vector.shape_cast %get3A_423 : vector<1x1024xf32> to vector<1024xf32>
    %broadcast_in_dim3A_425 = vector.shape_cast %get3A_424 : vector<1024xf32> to vector<1x1024xf32>
    %add3A_426 = vector.broadcast %broadcast_in_dim3A_425 : vector<1x1024xf32> to vector<128x1024xf32>
    %add3A_427 = arith.addf %add3A_420, %add3A_426 : vector<128x1024xf32>
    %swap3A_428 = arith.constant 0 : index
    %swap3A_429 = arith.constant 10240 : index
    %swap3A_430 = vector.load %arg3[%swap3A_428, %swap3A_429] : memref<128x16384xf32, #tpu.memory_space<vmem>>, vector<128x1024xf32>
    tpu.vector_store %arg3[%swap3A_428, %swap3A_429], %add3A_427 {strides = array<i32>} : memref<128x16384xf32, #tpu.memory_space<vmem>>, vector<128x1024xf32>,
    %reduce_min3A_431 = arith.constant dense<0x7F800000> : vector<128xf32>
    %reduce_min3A_432 = vector.multi_reduction <minimumf>, %add3A_427, %reduce_min3A_431 [1] : vector<128x1024xf32> to vector<128xf32>
    %broadcast_in_dim3A_433 = vector.shape_cast %reduce_min3A_432 : vector<128xf32> to vector<128x1xf32>
    %iota3A_434 = tpu.iota {dimensions = array<i32: 1>} : vector<128x1024xi32>
    %eq3A_435 = vector.broadcast %broadcast_in_dim3A_433 : vector<128x1xf32> to vector<128x1024xf32>
    %eq3A_436 = arith.cmpf oeq, %add3A_427, %eq3A_435 : vector<128x1024xf32>
    %jit3A_437 = arith.constant 1024 : i32
    %broadcast_in_dim3A_438 = vector.broadcast %jit3A_437 : i32 to vector<128x1024xi32>
    %select_n3A_439 = arith.select %eq3A_436, %iota3A_434, %broadcast_in_dim3A_438 : vector<128x1024xi1>, vector<128x1024xi32>
    %reduce_min3A_440 = arith.constant dense<2147483647> : vector<128xi32>
    %reduce_min3A_441 = vector.multi_reduction <minsi>, %select_n3A_439, %reduce_min3A_440 [1] : vector<128x1024xi32> to vector<128xi32>
    %swap3A_442 = arith.constant 0 : index
    %swap3A_443 = arith.constant 10 : index
    %swap3A_444 = vector.load %arg4[%swap3A_442, %swap3A_443] : memref<128x16xi32, #tpu.memory_space<vmem>>, vector<128x1xi32>
    %swap3A_445 = vector.shape_cast %swap3A_444 : vector<128x1xi32> to vector<128xi32>
    %swap3A_446 = vector.shape_cast %reduce_min3A_441 : vector<128xi32> to vector<128x1xi32>
    tpu.vector_store %arg4[%swap3A_442, %swap3A_443], %swap3A_446 {strides = array<i32>} : memref<128x16xi32, #tpu.memory_space<vmem>>, vector<128x1xi32>,
    %slice3A_447 = vector.extract_strided_slice %get3A_3 {offsets = [0, 704], sizes = [128, 64], strides = [1, 1]} : vector<128x1024xf32> to vector<128x64xf32>
    %slice3A_448 = vector.extract_strided_slice %mul3A_5 {offsets = [0, 704], sizes = [128, 64], strides = [1, 1]} : vector<128x1024xf32> to vector<128x64xf32>
    %get3A_449 = arith.constant 11 : index
    %get3A_450 = arith.constant 0 : index
    %get3A_451 = arith.constant 0 : index
    %get3A_452 = vector.load %arg2[%get3A_449, %get3A_450, %get3A_451] : memref<16x1024x64xf32, #tpu.memory_space<vmem>>, vector<1x1024x64xf32>
    %get3A_453 = vector.shape_cast %get3A_452 : vector<1x1024x64xf32> to vector<1024x64xf32>
    %dot_general3A_454 = arith.constant dense<0.000000e+00> : vector<128x1024xf32>
    %dot_general3A_455 = tpu.matmul %slice3A_448, %get3A_453, %dot_general3A_454 {dimension_numbers = #tpu.dot_dimension_numbers<[1], [1], [0], [0], [0, 0, 1, 0], [], []>, transpose_lhs_hint = false} : vector<128x64xf32>, vector<1024x64xf32>, vector<128x1024xf32> -> vector<128x1024xf32>
    %mul3A_456 = arith.mulf %slice3A_447, %slice3A_447 : vector<128x64xf32>
    %reduce_sum3A_457 = arith.constant dense<0.000000e+00> : vector<128xf32>
    %reduce_sum3A_458 = vector.multi_reduction <add>, %mul3A_456, %reduce_sum3A_457 [1] : vector<128x64xf32> to vector<128xf32>
    %broadcast_in_dim3A_459 = vector.shape_cast %reduce_sum3A_458 : vector<128xf32> to vector<128x1xf32>
    %add3A_460 = vector.broadcast %broadcast_in_dim3A_459 : vector<128x1xf32> to vector<128x1024xf32>
    %add3A_461 = arith.addf %add3A_460, %dot_general3A_455 : vector<128x1024xf32>
    %get3A_462 = arith.constant 11 : index
    %get3A_463 = arith.constant 0 : index
    %get3A_464 = vector.load %arg5[%get3A_462, %get3A_463] : memref<16x1024xf32, #tpu.memory_space<vmem>>, vector<1x1024xf32>
    %get3A_465 = vector.shape_cast %get3A_464 : vector<1x1024xf32> to vector<1024xf32>
    %broadcast_in_dim3A_466 = vector.shape_cast %get3A_465 : vector<1024xf32> to vector<1x1024xf32>
    %add3A_467 = vector.broadcast %broadcast_in_dim3A_466 : vector<1x1024xf32> to vector<128x1024xf32>
    %add3A_468 = arith.addf %add3A_461, %add3A_467 : vector<128x1024xf32>
    %swap3A_469 = arith.constant 0 : index
    %swap3A_470 = arith.constant 11264 : index
    %swap3A_471 = vector.load %arg3[%swap3A_469, %swap3A_470] : memref<128x16384xf32, #tpu.memory_space<vmem>>, vector<128x1024xf32>
    tpu.vector_store %arg3[%swap3A_469, %swap3A_470], %add3A_468 {strides = array<i32>} : memref<128x16384xf32, #tpu.memory_space<vmem>>, vector<128x1024xf32>,
    %reduce_min3A_472 = arith.constant dense<0x7F800000> : vector<128xf32>
    %reduce_min3A_473 = vector.multi_reduction <minimumf>, %add3A_468, %reduce_min3A_472 [1] : vector<128x1024xf32> to vector<128xf32>
    %broadcast_in_dim3A_474 = vector.shape_cast %reduce_min3A_473 : vector<128xf32> to vector<128x1xf32>
    %iota3A_475 = tpu.iota {dimensions = array<i32: 1>} : vector<128x1024xi32>
    %eq3A_476 = vector.broadcast %broadcast_in_dim3A_474 : vector<128x1xf32> to vector<128x1024xf32>
    %eq3A_477 = arith.cmpf oeq, %add3A_468, %eq3A_476 : vector<128x1024xf32>
    %jit3A_478 = arith.constant 1024 : i32
    %broadcast_in_dim3A_479 = vector.broadcast %jit3A_478 : i32 to vector<128x1024xi32>
    %select_n3A_480 = arith.select %eq3A_477, %iota3A_475, %broadcast_in_dim3A_479 : vector<128x1024xi1>, vector<128x1024xi32>
    %reduce_min3A_481 = arith.constant dense<2147483647> : vector<128xi32>
    %reduce_min3A_482 = vector.multi_reduction <minsi>, %select_n3A_480, %reduce_min3A_481 [1] : vector<128x1024xi32> to vector<128xi32>
    %swap3A_483 = arith.constant 0 : index
    %swap3A_484 = arith.constant 11 : index
    %swap3A_485 = vector.load %arg4[%swap3A_483, %swap3A_484] : memref<128x16xi32, #tpu.memory_space<vmem>>, vector<128x1xi32>
    %swap3A_486 = vector.shape_cast %swap3A_485 : vector<128x1xi32> to vector<128xi32>
    %swap3A_487 = vector.shape_cast %reduce_min3A_482 : vector<128xi32> to vector<128x1xi32>
    tpu.vector_store %arg4[%swap3A_483, %swap3A_484], %swap3A_487 {strides = array<i32>} : memref<128x16xi32, #tpu.memory_space<vmem>>, vector<128x1xi32>,
    %slice3A_488 = vector.extract_strided_slice %get3A_3 {offsets = [0, 768], sizes = [128, 64], strides = [1, 1]} : vector<128x1024xf32> to vector<128x64xf32>
    %slice3A_489 = vector.extract_strided_slice %mul3A_5 {offsets = [0, 768], sizes = [128, 64], strides = [1, 1]} : vector<128x1024xf32> to vector<128x64xf32>
    %get3A_490 = arith.constant 12 : index
    %get3A_491 = arith.constant 0 : index
    %get3A_492 = arith.constant 0 : index
    %get3A_493 = vector.load %arg2[%get3A_490, %get3A_491, %get3A_492] : memref<16x1024x64xf32, #tpu.memory_space<vmem>>, vector<1x1024x64xf32>
    %get3A_494 = vector.shape_cast %get3A_493 : vector<1x1024x64xf32> to vector<1024x64xf32>
    %dot_general3A_495 = arith.constant dense<0.000000e+00> : vector<128x1024xf32>
    %dot_general3A_496 = tpu.matmul %slice3A_489, %get3A_494, %dot_general3A_495 {dimension_numbers = #tpu.dot_dimension_numbers<[1], [1], [0], [0], [0, 0, 1, 0], [], []>, transpose_lhs_hint = false} : vector<128x64xf32>, vector<1024x64xf32>, vector<128x1024xf32> -> vector<128x1024xf32>
    %mul3A_497 = arith.mulf %slice3A_488, %slice3A_488 : vector<128x64xf32>
    %reduce_sum3A_498 = arith.constant dense<0.000000e+00> : vector<128xf32>
    %reduce_sum3A_499 = vector.multi_reduction <add>, %mul3A_497, %reduce_sum3A_498 [1] : vector<128x64xf32> to vector<128xf32>
    %broadcast_in_dim3A_500 = vector.shape_cast %reduce_sum3A_499 : vector<128xf32> to vector<128x1xf32>
    %add3A_501 = vector.broadcast %broadcast_in_dim3A_500 : vector<128x1xf32> to vector<128x1024xf32>
    %add3A_502 = arith.addf %add3A_501, %dot_general3A_496 : vector<128x1024xf32>
    %get3A_503 = arith.constant 12 : index
    %get3A_504 = arith.constant 0 : index
    %get3A_505 = vector.load %arg5[%get3A_503, %get3A_504] : memref<16x1024xf32, #tpu.memory_space<vmem>>, vector<1x1024xf32>
    %get3A_506 = vector.shape_cast %get3A_505 : vector<1x1024xf32> to vector<1024xf32>
    %broadcast_in_dim3A_507 = vector.shape_cast %get3A_506 : vector<1024xf32> to vector<1x1024xf32>
    %add3A_508 = vector.broadcast %broadcast_in_dim3A_507 : vector<1x1024xf32> to vector<128x1024xf32>
    %add3A_509 = arith.addf %add3A_502, %add3A_508 : vector<128x1024xf32>
    %swap3A_510 = arith.constant 0 : index
    %swap3A_511 = arith.constant 12288 : index
    %swap3A_512 = vector.load %arg3[%swap3A_510, %swap3A_511] : memref<128x16384xf32, #tpu.memory_space<vmem>>, vector<128x1024xf32>
    tpu.vector_store %arg3[%swap3A_510, %swap3A_511], %add3A_509 {strides = array<i32>} : memref<128x16384xf32, #tpu.memory_space<vmem>>, vector<128x1024xf32>,
    %reduce_min3A_513 = arith.constant dense<0x7F800000> : vector<128xf32>
    %reduce_min3A_514 = vector.multi_reduction <minimumf>, %add3A_509, %reduce_min3A_513 [1] : vector<128x1024xf32> to vector<128xf32>
    %broadcast_in_dim3A_515 = vector.shape_cast %reduce_min3A_514 : vector<128xf32> to vector<128x1xf32>
    %iota3A_516 = tpu.iota {dimensions = array<i32: 1>} : vector<128x1024xi32>
    %eq3A_517 = vector.broadcast %broadcast_in_dim3A_515 : vector<128x1xf32> to vector<128x1024xf32>
    %eq3A_518 = arith.cmpf oeq, %add3A_509, %eq3A_517 : vector<128x1024xf32>
    %jit3A_519 = arith.constant 1024 : i32
    %broadcast_in_dim3A_520 = vector.broadcast %jit3A_519 : i32 to vector<128x1024xi32>
    %select_n3A_521 = arith.select %eq3A_518, %iota3A_516, %broadcast_in_dim3A_520 : vector<128x1024xi1>, vector<128x1024xi32>
    %reduce_min3A_522 = arith.constant dense<2147483647> : vector<128xi32>
    %reduce_min3A_523 = vector.multi_reduction <minsi>, %select_n3A_521, %reduce_min3A_522 [1] : vector<128x1024xi32> to vector<128xi32>
    %swap3A_524 = arith.constant 0 : index
    %swap3A_525 = arith.constant 12 : index
    %swap3A_526 = vector.load %arg4[%swap3A_524, %swap3A_525] : memref<128x16xi32, #tpu.memory_space<vmem>>, vector<128x1xi32>
    %swap3A_527 = vector.shape_cast %swap3A_526 : vector<128x1xi32> to vector<128xi32>
    %swap3A_528 = vector.shape_cast %reduce_min3A_523 : vector<128xi32> to vector<128x1xi32>
    tpu.vector_store %arg4[%swap3A_524, %swap3A_525], %swap3A_528 {strides = array<i32>} : memref<128x16xi32, #tpu.memory_space<vmem>>, vector<128x1xi32>,
    %slice3A_529 = vector.extract_strided_slice %get3A_3 {offsets = [0, 832], sizes = [128, 64], strides = [1, 1]} : vector<128x1024xf32> to vector<128x64xf32>
    %slice3A_530 = vector.extract_strided_slice %mul3A_5 {offsets = [0, 832], sizes = [128, 64], strides = [1, 1]} : vector<128x1024xf32> to vector<128x64xf32>
    %get3A_531 = arith.constant 13 : index
    %get3A_532 = arith.constant 0 : index
    %get3A_533 = arith.constant 0 : index
    %get3A_534 = vector.load %arg2[%get3A_531, %get3A_532, %get3A_533] : memref<16x1024x64xf32, #tpu.memory_space<vmem>>, vector<1x1024x64xf32>
    %get3A_535 = vector.shape_cast %get3A_534 : vector<1x1024x64xf32> to vector<1024x64xf32>
    %dot_general3A_536 = arith.constant dense<0.000000e+00> : vector<128x1024xf32>
    %dot_general3A_537 = tpu.matmul %slice3A_530, %get3A_535, %dot_general3A_536 {dimension_numbers = #tpu.dot_dimension_numbers<[1], [1], [0], [0], [0, 0, 1, 0], [], []>, transpose_lhs_hint = false} : vector<128x64xf32>, vector<1024x64xf32>, vector<128x1024xf32> -> vector<128x1024xf32>
    %mul3A_538 = arith.mulf %slice3A_529, %slice3A_529 : vector<128x64xf32>
    %reduce_sum3A_539 = arith.constant dense<0.000000e+00> : vector<128xf32>
    %reduce_sum3A_540 = vector.multi_reduction <add>, %mul3A_538, %reduce_sum3A_539 [1] : vector<128x64xf32> to vector<128xf32>
    %broadcast_in_dim3A_541 = vector.shape_cast %reduce_sum3A_540 : vector<128xf32> to vector<128x1xf32>
    %add3A_542 = vector.broadcast %broadcast_in_dim3A_541 : vector<128x1xf32> to vector<128x1024xf32>
    %add3A_543 = arith.addf %add3A_542, %dot_general3A_537 : vector<128x1024xf32>
    %get3A_544 = arith.constant 13 : index
    %get3A_545 = arith.constant 0 : index
    %get3A_546 = vector.load %arg5[%get3A_544, %get3A_545] : memref<16x1024xf32, #tpu.memory_space<vmem>>, vector<1x1024xf32>
    %get3A_547 = vector.shape_cast %get3A_546 : vector<1x1024xf32> to vector<1024xf32>
    %broadcast_in_dim3A_548 = vector.shape_cast %get3A_547 : vector<1024xf32> to vector<1x1024xf32>
    %add3A_549 = vector.broadcast %broadcast_in_dim3A_548 : vector<1x1024xf32> to vector<128x1024xf32>
    %add3A_550 = arith.addf %add3A_543, %add3A_549 : vector<128x1024xf32>
    %swap3A_551 = arith.constant 0 : index
    %swap3A_552 = arith.constant 13312 : index
    %swap3A_553 = vector.load %arg3[%swap3A_551, %swap3A_552] : memref<128x16384xf32, #tpu.memory_space<vmem>>, vector<128x1024xf32>
    tpu.vector_store %arg3[%swap3A_551, %swap3A_552], %add3A_550 {strides = array<i32>} : memref<128x16384xf32, #tpu.memory_space<vmem>>, vector<128x1024xf32>,
    %reduce_min3A_554 = arith.constant dense<0x7F800000> : vector<128xf32>
    %reduce_min3A_555 = vector.multi_reduction <minimumf>, %add3A_550, %reduce_min3A_554 [1] : vector<128x1024xf32> to vector<128xf32>
    %broadcast_in_dim3A_556 = vector.shape_cast %reduce_min3A_555 : vector<128xf32> to vector<128x1xf32>
    %iota3A_557 = tpu.iota {dimensions = array<i32: 1>} : vector<128x1024xi32>
    %eq3A_558 = vector.broadcast %broadcast_in_dim3A_556 : vector<128x1xf32> to vector<128x1024xf32>
    %eq3A_559 = arith.cmpf oeq, %add3A_550, %eq3A_558 : vector<128x1024xf32>
    %jit3A_560 = arith.constant 1024 : i32
    %broadcast_in_dim3A_561 = vector.broadcast %jit3A_560 : i32 to vector<128x1024xi32>
    %select_n3A_562 = arith.select %eq3A_559, %iota3A_557, %broadcast_in_dim3A_561 : vector<128x1024xi1>, vector<128x1024xi32>
    %reduce_min3A_563 = arith.constant dense<2147483647> : vector<128xi32>
    %reduce_min3A_564 = vector.multi_reduction <minsi>, %select_n3A_562, %reduce_min3A_563 [1] : vector<128x1024xi32> to vector<128xi32>
    %swap3A_565 = arith.constant 0 : index
    %swap3A_566 = arith.constant 13 : index
    %swap3A_567 = vector.load %arg4[%swap3A_565, %swap3A_566] : memref<128x16xi32, #tpu.memory_space<vmem>>, vector<128x1xi32>
    %swap3A_568 = vector.shape_cast %swap3A_567 : vector<128x1xi32> to vector<128xi32>
    %swap3A_569 = vector.shape_cast %reduce_min3A_564 : vector<128xi32> to vector<128x1xi32>
    tpu.vector_store %arg4[%swap3A_565, %swap3A_566], %swap3A_569 {strides = array<i32>} : memref<128x16xi32, #tpu.memory_space<vmem>>, vector<128x1xi32>,
    %slice3A_570 = vector.extract_strided_slice %get3A_3 {offsets = [0, 896], sizes = [128, 64], strides = [1, 1]} : vector<128x1024xf32> to vector<128x64xf32>
    %slice3A_571 = vector.extract_strided_slice %mul3A_5 {offsets = [0, 896], sizes = [128, 64], strides = [1, 1]} : vector<128x1024xf32> to vector<128x64xf32>
    %get3A_572 = arith.constant 14 : index
    %get3A_573 = arith.constant 0 : index
    %get3A_574 = arith.constant 0 : index
    %get3A_575 = vector.load %arg2[%get3A_572, %get3A_573, %get3A_574] : memref<16x1024x64xf32, #tpu.memory_space<vmem>>, vector<1x1024x64xf32>
    %get3A_576 = vector.shape_cast %get3A_575 : vector<1x1024x64xf32> to vector<1024x64xf32>
    %dot_general3A_577 = arith.constant dense<0.000000e+00> : vector<128x1024xf32>
    %dot_general3A_578 = tpu.matmul %slice3A_571, %get3A_576, %dot_general3A_577 {dimension_numbers = #tpu.dot_dimension_numbers<[1], [1], [0], [0], [0, 0, 1, 0], [], []>, transpose_lhs_hint = false} : vector<128x64xf32>, vector<1024x64xf32>, vector<128x1024xf32> -> vector<128x1024xf32>
    %mul3A_579 = arith.mulf %slice3A_570, %slice3A_570 : vector<128x64xf32>
    %reduce_sum3A_580 = arith.constant dense<0.000000e+00> : vector<128xf32>
    %reduce_sum3A_581 = vector.multi_reduction <add>, %mul3A_579, %reduce_sum3A_580 [1] : vector<128x64xf32> to vector<128xf32>
    %broadcast_in_dim3A_582 = vector.shape_cast %reduce_sum3A_581 : vector<128xf32> to vector<128x1xf32>
    %add3A_583 = vector.broadcast %broadcast_in_dim3A_582 : vector<128x1xf32> to vector<128x1024xf32>
    %add3A_584 = arith.addf %add3A_583, %dot_general3A_578 : vector<128x1024xf32>
    %get3A_585 = arith.constant 14 : index
    %get3A_586 = arith.constant 0 : index
    %get3A_587 = vector.load %arg5[%get3A_585, %get3A_586] : memref<16x1024xf32, #tpu.memory_space<vmem>>, vector<1x1024xf32>
    %get3A_588 = vector.shape_cast %get3A_587 : vector<1x1024xf32> to vector<1024xf32>
    %broadcast_in_dim3A_589 = vector.shape_cast %get3A_588 : vector<1024xf32> to vector<1x1024xf32>
    %add3A_590 = vector.broadcast %broadcast_in_dim3A_589 : vector<1x1024xf32> to vector<128x1024xf32>
    %add3A_591 = arith.addf %add3A_584, %add3A_590 : vector<128x1024xf32>
    %swap3A_592 = arith.constant 0 : index
    %swap3A_593 = arith.constant 14336 : index
    %swap3A_594 = vector.load %arg3[%swap3A_592, %swap3A_593] : memref<128x16384xf32, #tpu.memory_space<vmem>>, vector<128x1024xf32>
    tpu.vector_store %arg3[%swap3A_592, %swap3A_593], %add3A_591 {strides = array<i32>} : memref<128x16384xf32, #tpu.memory_space<vmem>>, vector<128x1024xf32>,
    %reduce_min3A_595 = arith.constant dense<0x7F800000> : vector<128xf32>
    %reduce_min3A_596 = vector.multi_reduction <minimumf>, %add3A_591, %reduce_min3A_595 [1] : vector<128x1024xf32> to vector<128xf32>
    %broadcast_in_dim3A_597 = vector.shape_cast %reduce_min3A_596 : vector<128xf32> to vector<128x1xf32>
    %iota3A_598 = tpu.iota {dimensions = array<i32: 1>} : vector<128x1024xi32>
    %eq3A_599 = vector.broadcast %broadcast_in_dim3A_597 : vector<128x1xf32> to vector<128x1024xf32>
    %eq3A_600 = arith.cmpf oeq, %add3A_591, %eq3A_599 : vector<128x1024xf32>
    %jit3A_601 = arith.constant 1024 : i32
    %broadcast_in_dim3A_602 = vector.broadcast %jit3A_601 : i32 to vector<128x1024xi32>
    %select_n3A_603 = arith.select %eq3A_600, %iota3A_598, %broadcast_in_dim3A_602 : vector<128x1024xi1>, vector<128x1024xi32>
    %reduce_min3A_604 = arith.constant dense<2147483647> : vector<128xi32>
    %reduce_min3A_605 = vector.multi_reduction <minsi>, %select_n3A_603, %reduce_min3A_604 [1] : vector<128x1024xi32> to vector<128xi32>
    %swap3A_606 = arith.constant 0 : index
    %swap3A_607 = arith.constant 14 : index
    %swap3A_608 = vector.load %arg4[%swap3A_606, %swap3A_607] : memref<128x16xi32, #tpu.memory_space<vmem>>, vector<128x1xi32>
    %swap3A_609 = vector.shape_cast %swap3A_608 : vector<128x1xi32> to vector<128xi32>
    %swap3A_610 = vector.shape_cast %reduce_min3A_605 : vector<128xi32> to vector<128x1xi32>
    tpu.vector_store %arg4[%swap3A_606, %swap3A_607], %swap3A_610 {strides = array<i32>} : memref<128x16xi32, #tpu.memory_space<vmem>>, vector<128x1xi32>,
    %slice3A_611 = vector.extract_strided_slice %get3A_3 {offsets = [0, 960], sizes = [128, 64], strides = [1, 1]} : vector<128x1024xf32> to vector<128x64xf32>
    %slice3A_612 = vector.extract_strided_slice %mul3A_5 {offsets = [0, 960], sizes = [128, 64], strides = [1, 1]} : vector<128x1024xf32> to vector<128x64xf32>
    %get3A_613 = arith.constant 15 : index
    %get3A_614 = arith.constant 0 : index
    %get3A_615 = arith.constant 0 : index
    %get3A_616 = vector.load %arg2[%get3A_613, %get3A_614, %get3A_615] : memref<16x1024x64xf32, #tpu.memory_space<vmem>>, vector<1x1024x64xf32>
    %get3A_617 = vector.shape_cast %get3A_616 : vector<1x1024x64xf32> to vector<1024x64xf32>
    %dot_general3A_618 = arith.constant dense<0.000000e+00> : vector<128x1024xf32>
    %dot_general3A_619 = tpu.matmul %slice3A_612, %get3A_617, %dot_general3A_618 {dimension_numbers = #tpu.dot_dimension_numbers<[1], [1], [0], [0], [0, 0, 1, 0], [], []>, transpose_lhs_hint = false} : vector<128x64xf32>, vector<1024x64xf32>, vector<128x1024xf32> -> vector<128x1024xf32>
    %mul3A_620 = arith.mulf %slice3A_611, %slice3A_611 : vector<128x64xf32>
    %reduce_sum3A_621 = arith.constant dense<0.000000e+00> : vector<128xf32>
    %reduce_sum3A_622 = vector.multi_reduction <add>, %mul3A_620, %reduce_sum3A_621 [1] : vector<128x64xf32> to vector<128xf32>
    %broadcast_in_dim3A_623 = vector.shape_cast %reduce_sum3A_622 : vector<128xf32> to vector<128x1xf32>
    %add3A_624 = vector.broadcast %broadcast_in_dim3A_623 : vector<128x1xf32> to vector<128x1024xf32>
    %add3A_625 = arith.addf %add3A_624, %dot_general3A_619 : vector<128x1024xf32>
    %get3A_626 = arith.constant 15 : index
    %get3A_627 = arith.constant 0 : index
    %get3A_628 = vector.load %arg5[%get3A_626, %get3A_627] : memref<16x1024xf32, #tpu.memory_space<vmem>>, vector<1x1024xf32>
    %get3A_629 = vector.shape_cast %get3A_628 : vector<1x1024xf32> to vector<1024xf32>
    %broadcast_in_dim3A_630 = vector.shape_cast %get3A_629 : vector<1024xf32> to vector<1x1024xf32>
    %add3A_631 = vector.broadcast %broadcast_in_dim3A_630 : vector<1x1024xf32> to vector<128x1024xf32>
    %add3A_632 = arith.addf %add3A_625, %add3A_631 : vector<128x1024xf32>
    %swap3A_633 = arith.constant 0 : index
    %swap3A_634 = arith.constant 15360 : index
    %swap3A_635 = vector.load %arg3[%swap3A_633, %swap3A_634] : memref<128x16384xf32, #tpu.memory_space<vmem>>, vector<128x1024xf32>
    tpu.vector_store %arg3[%swap3A_633, %swap3A_634], %add3A_632 {strides = array<i32>} : memref<128x16384xf32, #tpu.memory_space<vmem>>, vector<128x1024xf32>,
    %reduce_min3A_636 = arith.constant dense<0x7F800000> : vector<128xf32>
    %reduce_min3A_637 = vector.multi_reduction <minimumf>, %add3A_632, %reduce_min3A_636 [1] : vector<128x1024xf32> to vector<128xf32>
    %broadcast_in_dim3A_638 = vector.shape_cast %reduce_min3A_637 : vector<128xf32> to vector<128x1xf32>
    %iota3A_639 = tpu.iota {dimensions = array<i32: 1>} : vector<128x1024xi32>
    %eq3A_640 = vector.broadcast %broadcast_in_dim3A_638 : vector<128x1xf32> to vector<128x1024xf32>
    %eq3A_641 = arith.cmpf oeq, %add3A_632, %eq3A_640 : vector<128x1024xf32>
    %jit3A_642 = arith.constant 1024 : i32
    %broadcast_in_dim3A_643 = vector.broadcast %jit3A_642 : i32 to vector<128x1024xi32>
    %select_n3A_644 = arith.select %eq3A_641, %iota3A_639, %broadcast_in_dim3A_643 : vector<128x1024xi1>, vector<128x1024xi32>
    %reduce_min3A_645 = arith.constant dense<2147483647> : vector<128xi32>
    %reduce_min3A_646 = vector.multi_reduction <minsi>, %select_n3A_644, %reduce_min3A_645 [1] : vector<128x1024xi32> to vector<128xi32>
    %swap3A_647 = arith.constant 0 : index
    %swap3A_648 = arith.constant 15 : index
    %swap3A_649 = vector.load %arg4[%swap3A_647, %swap3A_648] : memref<128x16xi32, #tpu.memory_space<vmem>>, vector<128x1xi32>
    %swap3A_650 = vector.shape_cast %swap3A_649 : vector<128x1xi32> to vector<128xi32>
    %swap3A_651 = vector.shape_cast %reduce_min3A_646 : vector<128xi32> to vector<128x1xi32>
    tpu.vector_store %arg4[%swap3A_647, %swap3A_648], %swap3A_651 {strides = array<i32>} : memref<128x16xi32, #tpu.memory_space<vmem>>, vector<128x1xi32>,
    return
  }
  func.func @transform_0(%arg0: i32) -> (i32, i32) {
    %c0_i32 = arith.constant 0 : i32
    %c0_i32_0 = arith.constant 0 : i32
    return %arg0, %c0_i32 : i32, i32
  }
  func.func @transform_1(%arg0: i32) -> (i32, i32, i32) {
    %c0_i32 = arith.constant 0 : i32
    %c0_i32_0 = arith.constant 0 : i32
    %c0_i32_1 = arith.constant 0 : i32
    %c0_i32_2 = arith.constant 0 : i32
    return %c0_i32, %c0_i32_0, %c0_i32_1 : i32, i32, i32
  }
  func.func @transform_2(%arg0: i32) -> (i32, i32) {
    %c0_i32 = arith.constant 0 : i32
    %c0_i32_0 = arith.constant 0 : i32
    return %arg0, %c0_i32 : i32, i32
  }
  func.func @transform_3(%arg0: i32) -> (i32, i32) {
    %c0_i32 = arith.constant 0 : i32
    %c0_i32_0 = arith.constant 0 : i32
    return %arg0, %c0_i32 : i32, i32
  }
}

</mosaic_0001>

<sc_bundles>
// kernel: sparse-core-data-format-call.cloned.1.call-start
scs
called_computation_lowered:
.L_overlay_start_0:
0x0: {  	s2 =	sld [smem:$0x3FD9]  }
0x1: {  	s3 =	sld [smem:$0x3FFE];
	_ =	sdelay $0x1  }
0x2: {  	s1 =	srdreg.scid  }
0x3: {  	s0 =	sand.u32 $0x1, s1  }
0x4: {  	s15 =	sshll.u32 s0, $0xA;
	s2 =	sadd.s32 s3, s2  }
0x5: {  	s2 =	sadd.s32 s2, s15  }
0x6: {  	[smem:$0x3FC6] =	sst s2  }
0x7: {  	_ = 	snop  }
0x8: {  	s2 =	sld [smem:$0x3FD0];
	_ =	sdelay $0x2  }
0x9: {  	s16 =	simm.s32 $0xA;
	s4 =	simm.s32 $0x10  }
0xa: {  	[smem:s4], [sflag:s16] =	dma.local [hbm:s2], $0x1  }
0xb: {  	_ =	swait.eq [sflag:s16], $0x1  }
0xc: {  	[sflag:s16] =	ssyncset.done $0x0  }
0xd: {  	[sflag:s16] =	ssyncadd.s32 $0xFFFFFFFF  }
0xe: {  	s17 =	sld [smem:$0x10];
	(tm) =	ssettm $0x1  }
0xf: {  	s18 =	sld [smem:$0x3FFB];
	_ =	sdelay $0x3  }
0x10: {  	_ =	strace s18  }
0x11: {  	s3 =	sld [smem:$0x3FFC];
	_ =	sdelay $0x3  }
0x12: {  	_ =	strace s3  }
0x13: {  	s3 =	sld [smem:$0x3FFD];
	_ =	sdelay $0x3  }
0x14: {  	_ =	strace s3  }
0x15: {  	_ =	strace $0x8FFFFFFF  }
0x16: {  	s19 =	sld [smem:$0x3FDB];
	_ =	sdelay $0x1  }
0x17: {  	s20 =	simm.s32 $_scs_section_size  }
0x18: {  	s5 =	simm.s32 $_size__tile_overlayer_lowered;
	s6 =	simm.s32 $_tile_overlayer_lowered  }
0x19: {  	s23 =	simm.s32 $0x1BFF;
	s22 =	sshll.u32 s6, $0x1;
	s3 =	sadd.s32 s20, s19  }
0x1a: {  	s7 =	simm.s32 $0x0;
	s21 =	sshll.u32 s5, $0x1;
	s5 =	sadd.s32 s22, s3  }
0x1b: {  	[timem:s7], [sflag:s23] =	dma.local [hbm:s5], s21  }
0x1c: {  	_ =	swait.ge [sflag:s23], s21  }
0x1d: {  	s4 =	ssub.s32 $0x0, s21;
	[sflag:s23] =	ssyncset.done $0x0  }
0x1e: {  	[sflag:s23] =	ssyncadd.s32 s4;
	_ =	sdelay $0x1  }
0x1f: {  	s24 =	simm.s32 $0x1B8B  }
0x20: {  	_ =	swait.ge [sflag:s24], $0x1  }
0x21: {  	[sflag:s24] =	ssyncset.done $0x0  }
0x22: {  	s26 =	simm.s32 $0x1B8E;
	s25 =	sld [smem:$0x3FFE];
	[sflag:s24] =	ssyncadd.s32 $0xFFFFFFFF  }
0x23: {  	s27 =	simm.s32 $execute0_lowered;
	[smem:$0x3FD2] =	sst s26  }
0x24: {  	s5 =	sshll.u32 s27, $0x1;
	_ =	strace $0x80000046;
	[dreg:$0x1] =	wrdreg $0xFFFFFFFF  }
0x25: {  	s28 =	simm.s32 $_size_execute0_lowered;
	s3 =	sadd.s32 s3, s5;
	[dreg:$0x0] =	wrdreg $0x0  }
0x26: {  	s5 =	sshll.u32 s28, $0x1;
	[dreg:$0x2] =	wrdreg s3  }
0x27: {  	[dreg:$0x3] =	wrdreg s5  }
0x28: {  	[dreg:$0x4] =	wrdreg $0xC0  }
0x29: {  	_ =	task [dreg:s7], $0x5FFFF  }
0x2a: {  	[dreg:$0x1] =	wrdreg $0xFFFFFFFF  }
0x2b: {  	[dreg:$0x0] =	wrdreg $0x60  }
0x2c: {  	[dreg:$0x2] =	wrdreg s25  }
0x2d: {  	[dreg:$0x3] =	wrdreg s17  }
0x2e: {  	[dreg:$0x4] =	wrdreg $0x9  }
0x2f: {  	_ =	task.clear_ibuf [dreg:s7], $0x5FFFF;
	_ =	strace $0x90000046  }
0x30: {  	s29 =	simm.s32 $0x9;
	_ =	strace $0x80000048  }
0x31: {  	_ =	swait.ge [sflag:s29], $0x1  }
0x32: {  	[sflag:s29] =	ssyncadd.s32 $0xFFFFFFFF  }
0x33: {  	_ =	strace $0x90000048  }
0x34: {  	_ =	sfence  }
0x35: {  	s30 =	sld [smem:$0x0];
	_ =	sdelay $0x2  }
0x36: {  	s31 =	sshll.u32 s1, $0xD;
	s1 =	sshrl.u32 s1, $0x2  }
0x37: {  	s3 =	sand.u32 $0x4000, s31;
	s1 =	sadd.s32 s1, s30  }
0x38: {  	s0 =	sor.u32 s3, s0;
	s1 =	sshll.u32 s1, $0x11  }
0x39: {  	s0 =	sor.u32 s1, s0  }
0x3a: {  	s0 =	sadd.s32 $0x8F2B, s0  }
0x3b: {  	[sflag:s0] =	ssyncadd.remote.s32 $0x1  }
0x3c: {  	_ =	sfence.sel $0xFFFF  }
0x3d: {  	[dreg:$0x0] =	wrdreg $0xFFFFFFFF;
	(pc) =	sbr.abs _section_cstart, $3  }
0x3e: {  	[dreg:$0x1] =	wrdreg $0xFFFFFFFF  }
0x3f: {  	_ =	task.clear_ibuf [dreg:s7], $0x2FFFF;
	_ =	strace $0x9FFFFFFF  }
0x40: {  	(tm) =	ssettm $0x7FFFFFFF  }
0x41: {  	_ =	shalt  }
tec
execute0_lowered:
.L_overlay_start_1:
0x0: {  	(tag) =	ssettag $0x1  }
0x1: {  	s1 =	rddreg [dreg:$0x0]  }
0x2: {  	s2 =	rddreg [dreg:$0x1]  }
0x3: {  	s0 =	rddreg [dreg:$0x2]  }
0x4: {  	_ =	strace $0x80000047;
	s4 =	srdreg.scid;
	s6 =	simm.s32 $0x2  }
0x5: {  	s12 =	simm.s32 $0x0;
	p0 =	por $0x0, $0x0;
	s13 =	simm.s32 $0x0  }
0x6: {  	s15 =	simm.s32 $0x0;
	s14 =	simm.s32 $0x0;
	s8 =	simm.s32 $0x0  }
.Ltmp0:
0x7: {  	s9 =	simm.s32 $0x0;
	s10 =	simm.s32 $0x0;
	(pc) =	sbr.rel .LBB1_1-.Ltmp0, $4  }
0x8: {  	s7 =	simm.s32 $0x0;
	s3 =	sadd.s32 $0x800, s1;
	s5 =	sshll.u32 s4, $0x4  }
0x9: {  	s1 =	stileid.u32;
	s4 =	simm.s32 $0x1;
	s5 =	sand.u32 $0x10, s5  }
0xa: {  	s21 =	simm.s32 $0x0;
	[sflag:s4] =	ssyncpa.u1 $0x0;
	s5 =	sor.u32 s1, s5  }
0xb: {  	[sflag:s6] =	ssyncpa.u1 $0x0;
	s6 =	simm.s32 $0x4000;
	s11 =	smov.u32 s5  }
.LBB1_7:
0xc: {  	s16 =	sadd.s32 $0x100, s8  }
0xd: {  	s12 =	sadd.s32 $0x8, s9;
	s17 =	smov.u32 s9;
	p2 =	sgt.s32 s16, $0x3FF  }
0xe: {  	s17 =	smov.u32 @p2 s12  }
0xf: {  	s18 =	smov.u32 s10;
	s12 =	sadd.s32 $0x8, s10;
	p3 =	sgt.s32 s17, $0x7  }
0x10: {  	s18 =	smov.u32 @p3 s12  }
0x11: {  	s19 =	smov.u32 s11;
	s12 =	sadd.s32 $0x20, s11;
	p4 =	sgt.s32 s18, $0xF  }
0x12: {  	p1 =	slt.u32 s7, $0x2;
	s19 =	smov.u32 @p4 s12  }
0x13: {  	s7 =	sadd.s32 $0x1, s7;
	s16 =	simm.s32 @p2 $0x0;
	p2 =	sgt.s32 s19, $0x7F  }
0x14: {  	s20 =	simm.s32 @!p1 $0x2;
	s19 =	smov.u32 @p2 s5;
	p2 =	sne.s32 s7, $0x22  }
.Ltmp1:
0x15: {  	s13 =	smov.u32 s9;
	_ =	swait.ge @!p1 [sflag:s20], $0x4000;
	(pc) =	sbr.rel @!p2 .LBB1_8-.Ltmp1, $4  }
0x16: {  	s15 =	smov.u32 s10;
	s14 =	smov.u32 s11;
	[sflag:s20] =	ssyncset.done @!p1 $0x0  }
0x17: {  	p0 =	por !p0, !p0;
	s17 =	simm.s32 @p3 $0x0;
	[sflag:s20] =	ssyncadd.s32 @!p1 $0xFFFFC000  }
0x18: {  	s9 =	smov.u32 s17;
	s18 =	simm.s32 @p4 $0x0;
	s12 =	smov.u32 s8  }
0x19: {  	s8 =	smov.u32 s16;
	s10 =	smov.u32 s18;
	s11 =	smov.u32 s19  }
.LBB1_1:
0x1a: {  	p1 =	sgt.u32 s7, $0x1F  }
0x1b: {  	s16 =	sxor.u32 @!p1 $0xFFFFFFFF, s7  }
0x1c: {  	s17 =	sshll.u32 @!p1 s9, $0x7;
	s18 =	sand.u32 @!p1 $0x78, s8;
	s19 =	sshll.u32 @!p1 s11, $0xE  }
0x1d: {  	s20 =	sand.u32 @!p1 $0x380, s8;
	s16 =	sshll.u32 @!p1 s16, $0xE;
	s17 =	sand.u32 @!p1 $0x380, s17  }
0x1e: {  	s19 =	sadd.s32 @!p1 s3, s19;
	s17 =	sor.u32 @!p1 s18, s17;
	s18 =	sshll.u32 @!p1 s10, $0xA  }
0x1f: {  	s16 =	sand.u32 @!p1 $0x4000, s16;
	s18 =	sadd.s32 @!p1 s18, s19;
	s19 =	sand.u32 @!p1 $0x7, s8  }
0x20: {  	s17 =	sshrl.u32 @!p1 s17, $0x3;
	s18 =	sadd.s32 @!p1 s20, s18;
	s19 =	sshll.u32 @!p1 s19, $0x12  }
0x21: {  	s17 =	sadd.s32 @!p1 s17, s18;
	s18 =	sor.u32 @!p1 $0x800, s19;
	s19 =	simm.s32 @!p1 $0x2000  }
0x22: {  	[tilespmem:s16], [sflag:$0x1] =	stream.strided.gather @!p1 [hbm4b:s17+s18], $0x4000, s19, s18, $0x38;
	[tilespmem:$0x10000] =	vst v63  }
0x23: {  	p1 =	seq.s32 s7, $0x0  }
0x24: {  	p2 =	seq.s32 @!p1 s7, $0x21  }
0x25: {  	p1 =	por p1, p2  }
.Ltmp2:
0x26: {  	_ = 	snop;
	(pc) =	sbr.rel @p1 .LBB1_7-.Ltmp2, $1  }
0x27: {  	_ =	sdelay $0x3  }
0x28: {  	s16 =	simm.s32 $0x1  }
0x29: {  	_ =	swait.ge [sflag:s4], $0x4000;
	s31 =	sshll.u32 s7, $0xE;
	p1 =	por $0x0, $0x0  }
0x2a: {  	s22 =	simm.s32 $0x0;
	s23 =	simm.s32 $0x0;
	s16 =	simm.s32 @!p0 $0x0  }
0x2b: {  	[sflag:s4] =	ssyncset.done $0x0;
	s19 =	sand.u32 $0x4000, s31;
	s16 =	sshll.u32 s16, $0x10  }
0x2c: {  	[sflag:s4] =	ssyncadd.s32 $0xFFFFC000;
	s20 =	sshrl.u32 s16, $0x2;
	s16 =	sor.u32 $0x8000, s19  }
0x2d: {  	s17 =	sor.u32 $0x40, s20;
	s18 =	sor.u32 $0x8410, s20;
	s20 =	sadd.s32 $0x8400, s20  }
.LBB1_3:
0x2e: {  	v1 =	vld [tilespmem:s17+$0xFFFFFFD0]  }
0x2f: {  	v2 =	vld [tilespmem:s17+$0x430]  }
0x30: {  	s24 =	sshll.u32 s23, $0xB;
	v4 =	vld [tilespmem:s17+$0xFFFFFFE0]  }
0x31: {  	v7 =	vld [tilespmem:s17+$0xFFFFFFF0];
	v0 =	vmov s24  }
0x32: {  	v8 =	vld [tilespmem:s17+$0x0]  }
0x33: {  	s30 =	sand.u32 $0x300, s21;
	v9 =	vld [tilespmem:s17+$0x10]  }
0x34: {  	s25 =	sand.u32 $0x80, s21;
	v10 =	vld [tilespmem:s17+$0x20];
	s24 =	sadd.s32 s30, s19  }
0x35: {  	v11 =	vld [tilespmem:s17+$0x30];
	s24 =	sadd.s32 s25, s24;
	s25 =	simm.s32 $0x1;
	[tilespmem:s18+$0x60] =	vst v2  }
0x36: {  	s31 =	sshll.u32 s22, $0x2;
	s25 =	simm.s32 @!p1 $0x0;
	[tilespmem:s18+$0xFFFFFC00] =	vst v1;
	v3 =	vld.idx.msk [tilespmem:v0+s24+$0x400 ss:$0x1], $0xffff  }
0x37: {  	v6 =	vld [tilespmem:s17+$0x3D0];
	s25 =	sshll.u32 s25, $0x9;
	[tilespmem:s18+$0xFFFFFC10] =	vst v4;
	s24 =	sand.u32 $0xFFFFFC00, s31  }
0x38: {  	v5 =	vld [tilespmem:s17+$0x3E0];
	[tilespmem:s18+$0xFFFFFC20] =	vst v7;
	s24 =	sor.u32 s25, s24  }
0x39: {  	[tilespmem:s18+$0xFFFFFC30] =	vst v8;
	v4 =	vld [tilespmem:s17+$0x400];
	s24 =	sshrl.u32 s24, $0x2  }
0x3a: {  	[tilespmem:s18+$0xFFFFFC40] =	vst v9;
	v1 =	vld [tilespmem:s17+$0x410];
	s24 =	sadd.s32 s24, s20  }
0x3b: {  	[tilespmem:s24+$0x0] =	vst v3;
	v3 =	vld [tilespmem:s17+$0x3F0]  }
0x3c: {  	s28 =	simm.s32 $0x80;
	s27 =	simm.s32 $0x100;
	[tilespmem:s18+$0xFFFFFC50] =	vst v10;
	v2 =	vld [tilespmem:s17+$0x420]  }
0x3d: {  	s26 =	smov.u32 s18;
	s29 =	sand.u32 $0x300, s28;
	v7 =	vld [tilespmem:s17+$0xFFFFFFC0];
	[tilespmem:s18+$0xFFFFFC60] =	vst v11;
	s25 =	sadd.s32 $0x80, s17  }
.LBB1_4:
0x3e: {  	p2 =	sne.s32 s27, $0x380;
	v8 =	vld [tilespmem:s25+$0xFFFFFFD0];
	s28 =	sand.u32 $0x80, s28;
	s29 =	sadd.s32 s29, s19;
	[tilespmem:s26+$0x0] =	vst v6  }
0x3f: {  	s29 =	sadd.s32 s28, s29;
	v6 =	vld [tilespmem:s25+$0x430];
	[tilespmem:s26+$0x10] =	vst v5;
	s28 =	smov.u32 s27  }
0x40: {  	v5 =	vld.idx.msk [tilespmem:v0+s29+$0x400 ss:$0x1], $0xffff;
	[tilespmem:s26+$0x20] =	vst v3  }
0x41: {  	v3 =	vld [tilespmem:s25+$0xFFFFFFE0];
	[tilespmem:s26+$0x30] =	vst v4  }
0x42: {  	v4 =	vld [tilespmem:s25+$0xFFFFFFF0];
	[tilespmem:s26+$0xFFFFFBF0] =	vst v7  }
0x43: {  	v7 =	vld [tilespmem:s25+$0x0];
	[tilespmem:s26+$0x40] =	vst v1  }
0x44: {  	v1 =	vld [tilespmem:s25+$0x10];
	[tilespmem:s26+$0x50] =	vst v2;
	s26 =	sadd.s32 $0x800, s26  }
0x45: {  	s24 =	sadd.s32 $0x800, s24;
	v2 =	vld [tilespmem:s25+$0x20];
	[tilespmem:s26+$0x60] =	vst v6  }
0x46: {  	v9 =	vld [tilespmem:s25+$0x30];
	[tilespmem:s24+$0x0] =	vst v5  }
0x47: {  	[tilespmem:s26+$0xFFFFFC00] =	vst v8;
	v6 =	vld [tilespmem:s25+$0x3D0]  }
0x48: {  	[tilespmem:s26+$0xFFFFFC10] =	vst v3;
	v5 =	vld [tilespmem:s25+$0x3E0]  }
.Ltmp3:
0x49: {  	[tilespmem:s26+$0xFFFFFC20] =	vst v4;
	v3 =	vld [tilespmem:s25+$0x3F0];
	(pc) =	sbr.rel @p2 .LBB1_4-.Ltmp3, $4  }
0x4a: {  	[tilespmem:s26+$0xFFFFFC30] =	vst v7;
	v4 =	vld [tilespmem:s25+$0x400]  }
0x4b: {  	[tilespmem:s26+$0xFFFFFC40] =	vst v1;
	v1 =	vld [tilespmem:s25+$0x410]  }
0x4c: {  	[tilespmem:s26+$0xFFFFFC50] =	vst v2;
	v2 =	vld [tilespmem:s25+$0x420]  }
0x4d: {  	s27 =	sadd.s32 $0x80, s27;
	s29 =	sand.u32 $0x300, s28;
	v7 =	vld [tilespmem:s25+$0xFFFFFFC0];
	[tilespmem:s26+$0xFFFFFC60] =	vst v9;
	s25 =	sadd.s32 $0x80, s25  }
0x4e: {  	[tilespmem:s26+$0x0] =	vst v6  }
0x4f: {  	[tilespmem:s26+$0x10] =	vst v5  }
0x50: {  	v49 =	vld [tilespmem:s25+$0x430];
	[tilespmem:s26+$0x20] =	vst v3  }
0x51: {  	v50 =	vld [tilespmem:s25+$0xFFFFFFD0];
	[tilespmem:s26+$0x30] =	vst v4  }
0x52: {  	v51 =	vld [tilespmem:s25+$0xFFFFFFE0];
	[tilespmem:s26+$0x40] =	vst v1  }
0x53: {  	v52 =	vld [tilespmem:s25+$0xFFFFFFF0];
	[tilespmem:s26+$0x50] =	vst v2  }
0x54: {  	s31 =	sadd.s32 $0x800, s26;
	v53 =	vld [tilespmem:s25+$0x0];
	[tilespmem:s26+$0xFFFFFBF0] =	vst v7  }
0x55: {  	v54 =	vld [tilespmem:s25+$0x10];
	[tilespmem:s31+$0x60] =	vst v49  }
0x56: {  	v55 =	vld [tilespmem:s25+$0x20];
	[tilespmem:s31+$0xFFFFFC00] =	vst v50  }
0x57: {  	v56 =	vld [tilespmem:s25+$0x30];
	[tilespmem:s31+$0xFFFFFC10] =	vst v51  }
0x58: {  	v57 =	vld [tilespmem:s25+$0x3D0];
	[tilespmem:s31+$0xFFFFFC20] =	vst v52  }
0x59: {  	v58 =	vld [tilespmem:s25+$0x3E0];
	[tilespmem:s31+$0xFFFFFC30] =	vst v53  }
0x5a: {  	v59 =	vld [tilespmem:s25+$0x3F0];
	[tilespmem:s31+$0xFFFFFC40] =	vst v54  }
0x5b: {  	v60 =	vld [tilespmem:s25+$0x400];
	[tilespmem:s31+$0xFFFFFC50] =	vst v55  }
0x5c: {  	v61 =	vld [tilespmem:s25+$0xFFFFFFC0];
	[tilespmem:s31+$0xFFFFFC60] =	vst v56  }
0x5d: {  	s27 =	sand.u32 $0x80, s28;
	s30 =	sadd.s32 s29, s19;
	v62 =	vld [tilespmem:s25+$0x410];
	[tilespmem:s31+$0x0] =	vst v57  }
0x5e: {  	v63 =	vld [tilespmem:s25+$0x420];
	s23 =	sadd.s32 $0x1, s23;
	s27 =	sadd.s32 s27, s30;
	[tilespmem:s31+$0x10] =	vst v58  }
0x5f: {  	p2 =	sne.s32 s23, $0x8;
	v0 =	vld.idx.msk [tilespmem:v0+s27+$0x400 ss:$0x1], $0xffff;
	[tilespmem:s31+$0x20] =	vst v59  }
.Ltmp4:
0x60: {  	[tilespmem:s31+$0x30] =	vst v60;
	(pc) =	sbr.rel @p2 .LBB1_3-.Ltmp4, $4  }
0x61: {  	[tilespmem:s31+$0xFFFFFBF0] =	vst v61  }
0x62: {  	[tilespmem:s31+$0x40] =	vst v62  }
0x63: {  	s24 =	sadd.s32 $0x800, s24;
	s17 =	sadd.s32 $0x800, s17;
	[tilespmem:s31+$0x50] =	vst v63  }
0x64: {  	s22 =	sadd.s32 $0x80, s22;
	p1 =	por !p1, !p1;
	s18 =	sadd.s32 $0x80, s18;
	[tilespmem:s24+$0x0] =	vst v0  }
0x65: {  	s15 =	sshll.u32 s15, $0x7  }
0x66: {  	s17 =	sand.u32 $0x78, s12;
	s14 =	sshll.u32 s14, $0xE;
	s13 =	sshll.u32 s13, $0xB  }
0x67: {  	s30 =	sand.u32 $0x7, s12;
	s18 =	sand.u32 $0x380, s15;
	s15 =	sand.u32 $0x400, s15  }
.Ltmp5:
0x68: {  	s14 =	sadd.s32 s2, s14;
	s17 =	sor.u32 s18, s17;
	(pc) =	sbr.rel .LBB1_7-.Ltmp5, $4  }
0x69: {  	s15 =	sadd.s32 s12, s15;
	s13 =	sadd.s32 s13, s14;
	s17 =	sshrl.u32 s17, $0x3  }
0x6a: {  	s12 =	sshll.u32 s30, $0x12;
	s31 =	sand.u32 $0x780, s15;
	s13 =	sadd.s32 s17, s13  }
0x6b: {  	s12 =	sor.u32 $0x800, s12;
	s13 =	sadd.s32 s31, s13  }
0x6c: {  	[hbm4b:s13+s12] =	stream.strided.scatter [tilespmem:s16], [sflag:$0x2], $0x4000, s6, s12, $0x38;
	[tilespmem:$0x10000] =	vst v63  }
.LBB1_8:
0x6d: {  	_ =	sfence.sel $0x180000  }
0x6e: {  	s2 =	simm.s32 $0x1;
	[bflag:$0x0] =	sbarrier.arrive $0xFFFF  }
0x6f: {  	s31 =	simm.s32 $0x2;
	[sflag:s2] =	ssyncpa.u1 $0x1  }
0x70: {  	[sflag:s31] =	ssyncpa.u1 $0x1  }
0x71: {  	p0 =	sne.s32 s1, $0x0;
	_ =	strace $0x90000047  }
0x72: {  	s0 =	sadd.s32 @!p0 $0x100000, s0;
	[bflag:$0x2] =	sbarrier.arrive $0xFFFF  }
0x73: {  	[sflag:s0] =	ssyncadd.tile.s32 @!p0 $0x1;
	_ =	shalt  }
.Lfunc_end1:
_tile_overlayer_lowered:
.L_overlay_start_2:
0x74: {  	(tag) =	ssettag $0x2  }
0x75: {  	s0 =	rddreg [dreg:$0x0];
	s2 =	stileid.u32  }
0x76: {  	s1 =	rddreg [dreg:$0x1];
	p0 =	sne.s32 s2, $0x0  }
0x77: {  	s3 =	rddreg [dreg:$0x2];
	[bflag:$0x3] =	sbarrier.arrive $0xFFFF;
	s2 =	simm.s32 @!p0 $0x1C01  }
0x78: {  	[timem:s3], [sflag:s2] =	dma.local @!p0 [hbm:s0], s1  }
0x79: {  	s0 =	simm.s32 @!p0 $0x1  }
0x7a: {  	_ =	swait.ge @!p0 [sflag:s0], s1  }
0x7b: {  	s1 =	ssub.s32 @!p0 $0x0, s1;
	[sflag:s0] =	ssyncset.done @!p0 $0x0  }
0x7c: {  	[sflag:s0] =	ssyncadd.s32 @!p0 s1  }
0x7d: {  	[bflag:$0x3] =	sbarrier.arrive $0xFFFF  }
0x7e: {  	_ =	shalt  }

</sc_bundles>
